<compile_context>
chip_gen: v7x
topology: tpu7x:2x2x1
jax: 0.10.2.dev20260603
libtpu: 0.0.44.dev20260713+nightly
codegen_flags: <defaults>
</compile_context>

<pallas_src>
import functools

import jax
import jax.numpy as jnp
from jax import lax
from jax.experimental import pallas as pl
from jax.experimental.pallas import tpu as pltpu
from jax.experimental.pallas import tpu_sc as plsc

HASH_BUCKET_SIZE = 32768
GEO_BUCKETS = 4096
NCAT = 26
CAT_DIM = 16
REGION_EMB_DIM = 32
HIST = 200
NUM = 64
K = 64
TOPK = 8
HIDDEN = 256

_SQRT_HALF = 0.7071067811865476

_NC = 2
_NS = 16
_NW = _NC * _NS
_CHUNK = 128


def _sc_gather_call(tbl_flat, idx_flat, region_table, region_id):
    n_idx = idx_flat.shape[0]
    n_reg = region_id.shape[0]
    per_w = n_idx // _NW
    rper_w = n_reg // _NW
    rows_per_blk = _CHUNK * NCAT
    blk_per_w = per_w // rows_per_blk
    assert per_w % rows_per_blk == 0 and rper_w % _CHUNK == 0
    n_rin = rper_w // _CHUNK

    mesh = plsc.VectorSubcoreMesh(core_axis_name="c", subcore_axis_name="s")

    @functools.partial(
        pl.kernel,
        mesh=mesh,
        compiler_params=pltpu.CompilerParams(use_tc_tiling_on_sc=False),
        out_type=[
            jax.ShapeDtypeStruct((n_idx, CAT_DIM), jnp.float32),
            jax.ShapeDtypeStruct((n_reg, REGION_EMB_DIM), jnp.float32),
        ],
        scratch_types=[
            pltpu.VMEM((per_w,), jnp.int32),
            pltpu.VMEM((rows_per_blk, CAT_DIM), jnp.float32),
            pltpu.VMEM((rper_w,), jnp.int32),
            pltpu.VMEM((rper_w, REGION_EMB_DIM), jnp.float32),
            pltpu.SemaphoreType.DMA,
            pltpu.SemaphoreType.DMA,
        ],
    )
    def sc_kernel(tbl_hbm, idx_hbm, rtbl_hbm, ridx_hbm, cat_out, reg_out,
                  idx_v, rows_v, ridx_v, rrows_v, sem_g, sem_o):
        w = lax.axis_index("s") * _NC + lax.axis_index("c")
        base = w * per_w

        pltpu.sync_copy(idx_hbm.at[pl.ds(base, per_w)], idx_v)

        def fix_cat(i, carry):
            pos = base + i * 16 + lax.iota(jnp.int32, 16)
            fld = lax.rem(pos, jnp.int32(NCAT))
            raw = idx_v[pl.ds(i * 16, 16)]
            clipped = jnp.minimum(jnp.maximum(raw, 0), HASH_BUCKET_SIZE - 1)
            idx_v[pl.ds(i * 16, 16)] = clipped + fld * HASH_BUCKET_SIZE
            return carry

        lax.fori_loop(0, per_w // 16, fix_cat, 0)

        def outer(o, carry):
            cps = []
            for c in range(NCAT):
                r0 = o * rows_per_blk + c * _CHUNK
                cps.append(pltpu.async_copy(
                    tbl_hbm.at[idx_v.at[pl.ds(r0, _CHUNK)]],
                    rows_v.at[pl.ds(c * _CHUNK, _CHUNK)], sem_g))
            for cp in cps:
                cp.wait()
            pltpu.sync_copy(
                rows_v, cat_out.at[pl.ds(base + o * rows_per_blk,
                                         rows_per_blk)])
            return carry

        lax.fori_loop(0, blk_per_w, outer, 0)

        rbase = w * rper_w
        pltpu.sync_copy(ridx_hbm.at[pl.ds(rbase, rper_w)], ridx_v)

        def fix_reg(i, carry):
            raw = ridx_v[pl.ds(i * 16, 16)]
            ridx_v[pl.ds(i * 16, 16)] = jnp.minimum(
                jnp.maximum(raw, 0), GEO_BUCKETS - 1)
            return carry

        lax.fori_loop(0, rper_w // 16, fix_reg, 0)

        rcps = []
        for j in range(n_rin):
            rcps.append(pltpu.async_copy(
                rtbl_hbm.at[ridx_v.at[pl.ds(j * _CHUNK, _CHUNK)]],
                rrows_v.at[pl.ds(j * _CHUNK, _CHUNK)], sem_g))
        for cp in rcps:
            cp.wait()
        pltpu.sync_copy(rrows_v, reg_out.at[pl.ds(rbase, rper_w)])

    return sc_kernel(tbl_flat, idx_flat, region_table, region_id)


def _gelu(x):
    return 0.5 * x * (1.0 + lax.erf(x * _SQRT_HALF))


def _tc_body(hist_ref, num_ref, cat_ref, reg_ref,
             w1_ref, b1_ref,
             w2_ref, b2_ref, w3_ref, b3_ref, out_ref):
    x = jnp.concatenate([hist_ref[...], num_ref[...], cat_ref[...],
                         reg_ref[...]], axis=1)
    h = jnp.dot(x, w1_ref[...], preferred_element_type=jnp.float32) + b1_ref[...]
    h = _gelu(h)
    h = _gelu(jnp.dot(h, w2_ref[...], preferred_element_type=jnp.float32)
              + b2_ref[...])
    logits = (jnp.dot(h, w3_ref[...], preferred_element_type=jnp.float32)
              + b3_ref[...])

    bb = logits.shape[0]
    rows = lax.broadcasted_iota(jnp.int32, (K, K), 0)
    cols = lax.broadcasted_iota(jnp.int32, (K, K), 1)
    lt = jnp.where(rows <= cols, 1.0, 0.0).astype(jnp.float32)

    work = logits
    sel = jnp.zeros((bb, K), dtype=jnp.bool_)
    m1 = None
    for t in range(TOPK):
        m = jnp.max(work, axis=1, keepdims=True)
        if t == 0:
            m1 = m
        eq = work == m
        pc = jnp.dot(eq.astype(jnp.float32), lt,
                     preferred_element_type=jnp.float32)
        pick = jnp.logical_and(eq, pc == 1.0)
        sel = jnp.logical_or(sel, pick)
        work = jnp.where(pick, -jnp.inf, work)
    e = jnp.where(sel, jnp.exp(logits - m1), 0.0)
    out_ref[...] = e / jnp.sum(e, axis=1, keepdims=True)


def _tc_forward(hist_y, cur_num, cat_vec, reg_vec, W1, b1, W2, b2, W3, b3,
                block_b=2048):
    Bn = hist_y.shape[0]
    grid = (Bn // block_b,)
    row = lambda i: (i, 0)
    rep = lambda i: (0, 0)
    return pl.pallas_call(
        _tc_body,
        grid=grid,
        in_specs=[
            pl.BlockSpec((block_b, HIST), row),
            pl.BlockSpec((block_b, NUM), row),
            pl.BlockSpec((block_b, NCAT * CAT_DIM), row),
            pl.BlockSpec((block_b, REGION_EMB_DIM), row),
            pl.BlockSpec((HIST + NUM + NCAT * CAT_DIM + REGION_EMB_DIM,
                          HIDDEN), rep),
            pl.BlockSpec((1, HIDDEN), rep),
            pl.BlockSpec((HIDDEN, HIDDEN), rep),
            pl.BlockSpec((1, HIDDEN), rep),
            pl.BlockSpec((HIDDEN, K), rep),
            pl.BlockSpec((1, K), rep),
        ],
        out_specs=pl.BlockSpec((block_b, K), row),
        out_shape=jax.ShapeDtypeStruct((Bn, K), jnp.float32),
    )(hist_y, cur_num, cat_vec, reg_vec,
      W1, b1.reshape(1, HIDDEN),
      W2, b2.reshape(1, HIDDEN), W3, b3.reshape(1, K))


def kernel(hist_y, cur_num, cur_cat, region_id, cat_tables, region_table,
           W1, b1, W2, b2, W3, b3):
    Bn = hist_y.shape[0]
    tbl_flat = cat_tables.reshape(NCAT * HASH_BUCKET_SIZE, CAT_DIM)
    idx_flat = cur_cat.astype(jnp.int32).reshape(Bn * NCAT)
    rid = region_id.astype(jnp.int32)
    cat_rows, reg_rows = _sc_gather_call(tbl_flat, idx_flat,
                                         region_table, rid)
    return _tc_forward(hist_y, cur_num,
                       cat_rows.reshape(Bn, NCAT * CAT_DIM), reg_rows,
                       W1, b1, W2, b2, W3, b3)

# --- scband reference (transcript-rebuilt; emitter-appended) ---
"""Pipeline reference for scband-gating-network-4243427688928 (READ-ONLY COPY).

The authoritative reference and input builder live on the scoring server;
editing this copy changes nothing except your own understanding.
"""

import jax, jax.numpy as jnp
import numpy as np

HASH_BUCKET_SIZE = 32768
GEO_BUCKETS = 4096
REGION_EMB_DIM = 32
B = 16384
HIST = 200
NUM = 64
NCAT = 26
CAT_DIM = 16
K = 64
TOPK = 8
HIDDEN = 256
IN_DIM = HIST + NUM + NCAT * CAT_DIM + REGION_EMB_DIM  # 200+64+416+32 = 712


def setup_inputs(seed: int = 0) -> dict:
    key = jax.random.key(seed)
    ks = jax.random.split(key, 12)
    hist_y = jax.random.normal(ks[0], (B, HIST), dtype=jnp.float32)
    cur_num = jax.random.normal(ks[1], (B, NUM), dtype=jnp.float32)
    cur_cat = jax.random.randint(ks[2], (B, NCAT), 0, HASH_BUCKET_SIZE, dtype=jnp.int64)
    region_id = jax.random.randint(ks[3], (B,), 0, GEO_BUCKETS, dtype=jnp.int64)
    cat_tables = jax.random.normal(ks[4], (NCAT, HASH_BUCKET_SIZE, CAT_DIM), dtype=jnp.float32) * 0.02
    region_table = jax.random.normal(ks[5], (GEO_BUCKETS, REGION_EMB_DIM), dtype=jnp.float32) * 0.02
    W1 = jax.random.normal(ks[6], (IN_DIM, HIDDEN), dtype=jnp.float32) * (1.0 / np.sqrt(IN_DIM))
    b1 = jnp.zeros((HIDDEN,), dtype=jnp.float32)
    W2 = jax.random.normal(ks[7], (HIDDEN, HIDDEN), dtype=jnp.float32) * (1.0 / np.sqrt(HIDDEN))
    b2 = jnp.zeros((HIDDEN,), dtype=jnp.float32)
    W3 = jax.random.normal(ks[8], (HIDDEN, K), dtype=jnp.float32) * (1.0 / np.sqrt(HIDDEN))
    b3 = jnp.zeros((K,), dtype=jnp.float32)
    return {"hist_y": hist_y, "cur_num": cur_num, "cur_cat": cur_cat, "region_id": region_id,
            "cat_tables": cat_tables, "region_table": region_table,
            "W1": W1, "b1": b1, "W2": W2, "b2": b2, "W3": W3, "b3": b3}


def reference(hist_y, cur_num, cur_cat, region_id, cat_tables, region_table, W1, b1, W2, b2, W3, b3):
    Bn = hist_y.shape[0]
    # per-field hashed-categorical embedding lookups (gather), then concat
    cur_cat_c = jnp.clip(cur_cat, 0, HASH_BUCKET_SIZE - 1)
    field_idx = jnp.arange(NCAT)[None, :]
    cat_vec = cat_tables[field_idx, cur_cat_c].reshape(Bn, NCAT * CAT_DIM)  # [B, 416]
    region_vec = region_table[jnp.clip(region_id, 0, GEO_BUCKETS - 1)]      # [B, 32]
    x = jnp.concatenate([hist_y, cur_num, cat_vec, region_vec], axis=1)     # [B, 712]
    # MLP with exact (erf) GELU, matching torch nn.GELU default
    h = jax.nn.gelu(x @ W1 + b1, approximate=False)
    h = jax.nn.gelu(h @ W2 + b2, approximate=False)
    logits = h @ W3 + b3                                                    # [B, K]
    # sparse top-k softmax: keep top-k logits, mask rest to -inf
    topk_vals, topk_idx = jax.lax.top_k(logits, TOPK)
    mask = jnp.full_like(logits, -jnp.inf)
    mask = mask.at[jnp.arange(Bn)[:, None], topk_idx].set(topk_vals)
    alpha = jax.nn.softmax(mask, axis=1)
    return alpha

if __name__ == "__main__":
    import jax
    _d = setup_inputs()
    print(jax.jit(kernel)(*tuple(_d.values())))

</pallas_src>

<mosaic_0001>
#map = affine_map<(d0, d1) -> (0, 0)>
#map1 = affine_map<(d0, d1) -> (0)>
module attributes {stable_mosaic.version = 14 : i64} {
  func.func @sc_kernel(%arg0: i32, %arg1: i32, %arg2: memref<851968x16xf32, #tpu.memory_space<hbm>>, %arg3: memref<425984xi32, #tpu.memory_space<hbm>>, %arg4: memref<4096x32xf32, #tpu.memory_space<hbm>>, %arg5: memref<16384xi32, #tpu.memory_space<hbm>>, %arg6: memref<425984x16xf32, #tpu.memory_space<hbm>>, %arg7: memref<16384x32xf32, #tpu.memory_space<hbm>>, %arg8: memref<13312xi32, #tpu.memory_space<vmem>>, %arg9: memref<3328x16xf32, #tpu.memory_space<vmem>>, %arg10: memref<512xi32, #tpu.memory_space<vmem>>, %arg11: memref<512x32xf32, #tpu.memory_space<vmem>>, %arg12: memref<!tpu.dma_semaphore, #tpu.memory_space<semaphore_mem>>, %arg13: memref<!tpu.dma_semaphore, #tpu.memory_space<semaphore_mem>>) attributes {dimension_semantics = [#tpu.dimension_semantics<core_parallel>, #tpu.dimension_semantics<subcore_parallel>], iteration_bounds = array<i64: 2, 16>, scalar_prefetch = 0 : i64, scratch_operands = 6 : i64, tpu.core_type = #tpu.core_type<sc_vector_subcore>, window_params = [{transform_indices = #map}, {transform_indices = #map1}, {transform_indices = #map}, {transform_indices = #map1}, {transform_indices = #map}, {transform_indices = #map}]} {
    %mul3A = arith.constant 2 : i32
    %mul3A_0 = arith.muli %arg1, %mul3A : i32
    %add3A = arith.addi %mul3A_0, %arg0 : i32
    %mul3A_1 = arith.constant 13312 : i32
    %mul3A_2 = arith.muli %add3A, %mul3A_1 : i32
    "tpu.region"() ({
      %run_scoped3A = tpu.sem_alloc : memref<!tpu.dma_semaphore, #tpu.memory_space<semaphore_mem>>
      %dma_start3A_84 = tpu.memref_slice %arg3[%mul3A_2] : memref<425984xi32, #tpu.memory_space<hbm>> -> memref<13312xi32, #tpu.memory_space<hbm>>
      %dma_start3A_85 = tpu.memref_slice %arg3[%mul3A_2] : memref<425984xi32, #tpu.memory_space<hbm>> -> memref<13312xi32, #tpu.memory_space<hbm>>
      tpu.enqueue_dma source(%dma_start3A_85 : memref<13312xi32, #tpu.memory_space<hbm>>) target(%arg8 : memref<13312xi32, #tpu.memory_space<vmem>>) target_semaphore(%run_scoped3A : memref<!tpu.dma_semaphore, #tpu.memory_space<semaphore_mem>>)
      %dma_wait3A_86 = tpu.memref_slice %arg3[%mul3A_2] : memref<425984xi32, #tpu.memory_space<hbm>> -> memref<13312xi32, #tpu.memory_space<hbm>>
      %dma_wait3A_87 = tpu.memref_slice %arg3[%mul3A_2] : memref<425984xi32, #tpu.memory_space<hbm>> -> memref<13312xi32, #tpu.memory_space<hbm>>
      tpu.wait_dma2 semaphore(%run_scoped3A : memref<!tpu.dma_semaphore, #tpu.memory_space<semaphore_mem>>) src(%dma_wait3A_87 : memref<13312xi32, #tpu.memory_space<hbm>>) dst(%arg8 : memref<13312xi32, #tpu.memory_space<vmem>>)
      tpu.yield
    }) : () -> ()
    %scan3A = arith.constant 0 : i32
    %scan3A_3 = arith.constant 0 : i32
    %scan3A_4 = arith.constant 832 : i32
    %scan3A_5 = arith.addi %scan3A_3, %scan3A_4 : i32
    %scan3A_6 = arith.constant 1 : i32
    scf.for %scan3A_84 = %scan3A_3 to %scan3A_5 step %scan3A_6  : i32 {
      %mul3A_85 = arith.constant 16 : i32
      %mul3A_86 = arith.muli %scan3A_84, %mul3A_85 : i32
      %add3A_87 = arith.addi %mul3A_2, %mul3A_86 : i32
      %iota3A = tpu.iota {dimensions = array<i32: 0>} : vector<16xi32>
      %add3A_88 = vector.broadcast %add3A_87 : i32 to vector<16xi32>
      %add3A_89 = arith.addi %add3A_88, %iota3A : vector<16xi32>
      %rem3A = arith.constant 26 : i32
      %rem3A_90 = vector.broadcast %rem3A : i32 to vector<16xi32>
      %rem3A_91 = arith.remsi %add3A_89, %rem3A_90 : vector<16xi32>
      %mul3A_92 = arith.constant 16 : i32
      %mul3A_93 = arith.muli %scan3A_84, %mul3A_92 : i32
      %get3A = arith.index_cast %mul3A_93 : i32 to index
      %get3A_94 = tpu.vector_load %arg8[%get3A] {strides = array<i32>} : memref<13312xi32, #tpu.memory_space<vmem>>, vector<16xi32>,
      %get3A_95 = vector.shape_cast %get3A_94 : vector<16xi32> to vector<16xi32>
      %max3A = arith.constant 0 : i32
      %max3A_96 = vector.broadcast %max3A : i32 to vector<16xi32>
      %max3A_97 = arith.maxsi %get3A_95, %max3A_96 : vector<16xi32>
      %min3A = arith.constant 32767 : i32
      %min3A_98 = vector.broadcast %min3A : i32 to vector<16xi32>
      %min3A_99 = arith.minsi %max3A_97, %min3A_98 : vector<16xi32>
      %mul3A_100 = arith.constant 32768 : i32
      %mul3A_101 = vector.broadcast %mul3A_100 : i32 to vector<16xi32>
      %mul3A_102 = arith.muli %rem3A_91, %mul3A_101 : vector<16xi32>
      %add3A_103 = arith.addi %min3A_99, %mul3A_102 : vector<16xi32>
      %mul3A_104 = arith.constant 16 : i32
      %mul3A_105 = arith.muli %scan3A_84, %mul3A_104 : i32
      %swap3A = arith.index_cast %mul3A_105 : i32 to index
      %swap3A_106 = tpu.vector_load %arg8[%swap3A] {strides = array<i32>} : memref<13312xi32, #tpu.memory_space<vmem>>, vector<16xi32>,
      %swap3A_107 = vector.shape_cast %swap3A_106 : vector<16xi32> to vector<16xi32>
      %swap3A_108 = vector.shape_cast %add3A_103 : vector<16xi32> to vector<16xi32>
      tpu.vector_store %arg8[%swap3A], %swap3A_108 {strides = array<i32>} : memref<13312xi32, #tpu.memory_space<vmem>>, vector<16xi32>,
    }
    %scan3A_7 = arith.constant 832 : i32
    %scan3A_8 = arith.constant 0 : i32
    %scan3A_9 = arith.constant 0 : i32
    %scan3A_10 = arith.constant 4 : i32
    %scan3A_11 = arith.addi %scan3A_9, %scan3A_10 : i32
    %scan3A_12 = arith.constant 1 : i32
    scf.for %scan3A_84 = %scan3A_9 to %scan3A_11 step %scan3A_12  : i32 {
      %mul3A_85 = arith.constant 3328 : i32
      %mul3A_86 = arith.muli %scan3A_84, %mul3A_85 : i32
      %add3A_87 = arith.constant 0 : i32
      %add3A_88 = arith.addi %mul3A_86, %add3A_87 : i32
      %dma_start3A_89 = arith.constant 0 : i32
      %dma_start3A_90 = arith.constant 0 : i32
      %dma_start3A_91 = tpu.memref_slice %arg9[%dma_start3A_89, %dma_start3A_90] : memref<3328x16xf32, #tpu.memory_space<vmem>> -> memref<128x16xf32, #tpu.memory_space<vmem>>
      %dma_start3A_92 = tpu.memref_slice %arg8[%add3A_88] : memref<13312xi32, #tpu.memory_space<vmem>> -> memref<128xi32, #tpu.memory_space<vmem>>
      %dma_start3A_93 = arith.constant 0 : i32
      %dma_start3A_94 = arith.constant 0 : i32
      %dma_start3A_95 = tpu.memref_slice %arg2[%dma_start3A_93, %dma_start3A_94] : memref<851968x16xf32, #tpu.memory_space<hbm>> -> memref<851968x16xf32, #tpu.memory_space<hbm>>
      tpu.enqueue_indirect_dma source(%dma_start3A_95 : memref<851968x16xf32, #tpu.memory_space<hbm>>) target(%dma_start3A_91 : memref<128x16xf32, #tpu.memory_space<vmem>>) offsets(%dma_start3A_92 : memref<128xi32, #tpu.memory_space<vmem>>) semaphore(%arg12 : memref<!tpu.dma_semaphore, #tpu.memory_space<semaphore_mem>>)
      %mul3A_96 = arith.constant 3328 : i32
      %mul3A_97 = arith.muli %scan3A_84, %mul3A_96 : i32
      %add3A_98 = arith.constant 128 : i32
      %add3A_99 = arith.addi %mul3A_97, %add3A_98 : i32
      %dma_start3A_100 = arith.constant 128 : i32
      %dma_start3A_101 = arith.constant 0 : i32
      %dma_start3A_102 = tpu.memref_slice %arg9[%dma_start3A_100, %dma_start3A_101] : memref<3328x16xf32, #tpu.memory_space<vmem>> -> memref<128x16xf32, #tpu.memory_space<vmem>>
      %dma_start3A_103 = tpu.memref_slice %arg8[%add3A_99] : memref<13312xi32, #tpu.memory_space<vmem>> -> memref<128xi32, #tpu.memory_space<vmem>>
      %dma_start3A_104 = arith.constant 0 : i32
      %dma_start3A_105 = arith.constant 0 : i32
      %dma_start3A_106 = tpu.memref_slice %arg2[%dma_start3A_104, %dma_start3A_105] : memref<851968x16xf32, #tpu.memory_space<hbm>> -> memref<851968x16xf32, #tpu.memory_space<hbm>>
      tpu.enqueue_indirect_dma source(%dma_start3A_106 : memref<851968x16xf32, #tpu.memory_space<hbm>>) target(%dma_start3A_102 : memref<128x16xf32, #tpu.memory_space<vmem>>) offsets(%dma_start3A_103 : memref<128xi32, #tpu.memory_space<vmem>>) semaphore(%arg12 : memref<!tpu.dma_semaphore, #tpu.memory_space<semaphore_mem>>)
      %mul3A_107 = arith.constant 3328 : i32
      %mul3A_108 = arith.muli %scan3A_84, %mul3A_107 : i32
      %add3A_109 = arith.constant 256 : i32
      %add3A_110 = arith.addi %mul3A_108, %add3A_109 : i32
      %dma_start3A_111 = arith.constant 256 : i32
      %dma_start3A_112 = arith.constant 0 : i32
      %dma_start3A_113 = tpu.memref_slice %arg9[%dma_start3A_111, %dma_start3A_112] : memref<3328x16xf32, #tpu.memory_space<vmem>> -> memref<128x16xf32, #tpu.memory_space<vmem>>
      %dma_start3A_114 = tpu.memref_slice %arg8[%add3A_110] : memref<13312xi32, #tpu.memory_space<vmem>> -> memref<128xi32, #tpu.memory_space<vmem>>
      %dma_start3A_115 = arith.constant 0 : i32
      %dma_start3A_116 = arith.constant 0 : i32
      %dma_start3A_117 = tpu.memref_slice %arg2[%dma_start3A_115, %dma_start3A_116] : memref<851968x16xf32, #tpu.memory_space<hbm>> -> memref<851968x16xf32, #tpu.memory_space<hbm>>
      tpu.enqueue_indirect_dma source(%dma_start3A_117 : memref<851968x16xf32, #tpu.memory_space<hbm>>) target(%dma_start3A_113 : memref<128x16xf32, #tpu.memory_space<vmem>>) offsets(%dma_start3A_114 : memref<128xi32, #tpu.memory_space<vmem>>) semaphore(%arg12 : memref<!tpu.dma_semaphore, #tpu.memory_space<semaphore_mem>>)
      %mul3A_118 = arith.constant 3328 : i32
      %mul3A_119 = arith.muli %scan3A_84, %mul3A_118 : i32
      %add3A_120 = arith.constant 384 : i32
      %add3A_121 = arith.addi %mul3A_119, %add3A_120 : i32
      %dma_start3A_122 = arith.constant 384 : i32
      %dma_start3A_123 = arith.constant 0 : i32
      %dma_start3A_124 = tpu.memref_slice %arg9[%dma_start3A_122, %dma_start3A_123] : memref<3328x16xf32, #tpu.memory_space<vmem>> -> memref<128x16xf32, #tpu.memory_space<vmem>>
      %dma_start3A_125 = tpu.memref_slice %arg8[%add3A_121] : memref<13312xi32, #tpu.memory_space<vmem>> -> memref<128xi32, #tpu.memory_space<vmem>>
      %dma_start3A_126 = arith.constant 0 : i32
      %dma_start3A_127 = arith.constant 0 : i32
      %dma_start3A_128 = tpu.memref_slice %arg2[%dma_start3A_126, %dma_start3A_127] : memref<851968x16xf32, #tpu.memory_space<hbm>> -> memref<851968x16xf32, #tpu.memory_space<hbm>>
      tpu.enqueue_indirect_dma source(%dma_start3A_128 : memref<851968x16xf32, #tpu.memory_space<hbm>>) target(%dma_start3A_124 : memref<128x16xf32, #tpu.memory_space<vmem>>) offsets(%dma_start3A_125 : memref<128xi32, #tpu.memory_space<vmem>>) semaphore(%arg12 : memref<!tpu.dma_semaphore, #tpu.memory_space<semaphore_mem>>)
      %mul3A_129 = arith.constant 3328 : i32
      %mul3A_130 = arith.muli %scan3A_84, %mul3A_129 : i32
      %add3A_131 = arith.constant 512 : i32
      %add3A_132 = arith.addi %mul3A_130, %add3A_131 : i32
      %dma_start3A_133 = arith.constant 512 : i32
      %dma_start3A_134 = arith.constant 0 : i32
      %dma_start3A_135 = tpu.memref_slice %arg9[%dma_start3A_133, %dma_start3A_134] : memref<3328x16xf32, #tpu.memory_space<vmem>> -> memref<128x16xf32, #tpu.memory_space<vmem>>
      %dma_start3A_136 = tpu.memref_slice %arg8[%add3A_132] : memref<13312xi32, #tpu.memory_space<vmem>> -> memref<128xi32, #tpu.memory_space<vmem>>
      %dma_start3A_137 = arith.constant 0 : i32
      %dma_start3A_138 = arith.constant 0 : i32
      %dma_start3A_139 = tpu.memref_slice %arg2[%dma_start3A_137, %dma_start3A_138] : memref<851968x16xf32, #tpu.memory_space<hbm>> -> memref<851968x16xf32, #tpu.memory_space<hbm>>
      tpu.enqueue_indirect_dma source(%dma_start3A_139 : memref<851968x16xf32, #tpu.memory_space<hbm>>) target(%dma_start3A_135 : memref<128x16xf32, #tpu.memory_space<vmem>>) offsets(%dma_start3A_136 : memref<128xi32, #tpu.memory_space<vmem>>) semaphore(%arg12 : memref<!tpu.dma_semaphore, #tpu.memory_space<semaphore_mem>>)
      %mul3A_140 = arith.constant 3328 : i32
      %mul3A_141 = arith.muli %scan3A_84, %mul3A_140 : i32
      %add3A_142 = arith.constant 640 : i32
      %add3A_143 = arith.addi %mul3A_141, %add3A_142 : i32
      %dma_start3A_144 = arith.constant 640 : i32
      %dma_start3A_145 = arith.constant 0 : i32
      %dma_start3A_146 = tpu.memref_slice %arg9[%dma_start3A_144, %dma_start3A_145] : memref<3328x16xf32, #tpu.memory_space<vmem>> -> memref<128x16xf32, #tpu.memory_space<vmem>>
      %dma_start3A_147 = tpu.memref_slice %arg8[%add3A_143] : memref<13312xi32, #tpu.memory_space<vmem>> -> memref<128xi32, #tpu.memory_space<vmem>>
      %dma_start3A_148 = arith.constant 0 : i32
      %dma_start3A_149 = arith.constant 0 : i32
      %dma_start3A_150 = tpu.memref_slice %arg2[%dma_start3A_148, %dma_start3A_149] : memref<851968x16xf32, #tpu.memory_space<hbm>> -> memref<851968x16xf32, #tpu.memory_space<hbm>>
      tpu.enqueue_indirect_dma source(%dma_start3A_150 : memref<851968x16xf32, #tpu.memory_space<hbm>>) target(%dma_start3A_146 : memref<128x16xf32, #tpu.memory_space<vmem>>) offsets(%dma_start3A_147 : memref<128xi32, #tpu.memory_space<vmem>>) semaphore(%arg12 : memref<!tpu.dma_semaphore, #tpu.memory_space<semaphore_mem>>)
      %mul3A_151 = arith.constant 3328 : i32
      %mul3A_152 = arith.muli %scan3A_84, %mul3A_151 : i32
      %add3A_153 = arith.constant 768 : i32
      %add3A_154 = arith.addi %mul3A_152, %add3A_153 : i32
      %dma_start3A_155 = arith.constant 768 : i32
      %dma_start3A_156 = arith.constant 0 : i32
      %dma_start3A_157 = tpu.memref_slice %arg9[%dma_start3A_155, %dma_start3A_156] : memref<3328x16xf32, #tpu.memory_space<vmem>> -> memref<128x16xf32, #tpu.memory_space<vmem>>
      %dma_start3A_158 = tpu.memref_slice %arg8[%add3A_154] : memref<13312xi32, #tpu.memory_space<vmem>> -> memref<128xi32, #tpu.memory_space<vmem>>
      %dma_start3A_159 = arith.constant 0 : i32
      %dma_start3A_160 = arith.constant 0 : i32
      %dma_start3A_161 = tpu.memref_slice %arg2[%dma_start3A_159, %dma_start3A_160] : memref<851968x16xf32, #tpu.memory_space<hbm>> -> memref<851968x16xf32, #tpu.memory_space<hbm>>
      tpu.enqueue_indirect_dma source(%dma_start3A_161 : memref<851968x16xf32, #tpu.memory_space<hbm>>) target(%dma_start3A_157 : memref<128x16xf32, #tpu.memory_space<vmem>>) offsets(%dma_start3A_158 : memref<128xi32, #tpu.memory_space<vmem>>) semaphore(%arg12 : memref<!tpu.dma_semaphore, #tpu.memory_space<semaphore_mem>>)
      %mul3A_162 = arith.constant 3328 : i32
      %mul3A_163 = arith.muli %scan3A_84, %mul3A_162 : i32
      %add3A_164 = arith.constant 896 : i32
      %add3A_165 = arith.addi %mul3A_163, %add3A_164 : i32
      %dma_start3A_166 = arith.constant 896 : i32
      %dma_start3A_167 = arith.constant 0 : i32
      %dma_start3A_168 = tpu.memref_slice %arg9[%dma_start3A_166, %dma_start3A_167] : memref<3328x16xf32, #tpu.memory_space<vmem>> -> memref<128x16xf32, #tpu.memory_space<vmem>>
      %dma_start3A_169 = tpu.memref_slice %arg8[%add3A_165] : memref<13312xi32, #tpu.memory_space<vmem>> -> memref<128xi32, #tpu.memory_space<vmem>>
      %dma_start3A_170 = arith.constant 0 : i32
      %dma_start3A_171 = arith.constant 0 : i32
      %dma_start3A_172 = tpu.memref_slice %arg2[%dma_start3A_170, %dma_start3A_171] : memref<851968x16xf32, #tpu.memory_space<hbm>> -> memref<851968x16xf32, #tpu.memory_space<hbm>>
      tpu.enqueue_indirect_dma source(%dma_start3A_172 : memref<851968x16xf32, #tpu.memory_space<hbm>>) target(%dma_start3A_168 : memref<128x16xf32, #tpu.memory_space<vmem>>) offsets(%dma_start3A_169 : memref<128xi32, #tpu.memory_space<vmem>>) semaphore(%arg12 : memref<!tpu.dma_semaphore, #tpu.memory_space<semaphore_mem>>)
      %mul3A_173 = arith.constant 3328 : i32
      %mul3A_174 = arith.muli %scan3A_84, %mul3A_173 : i32
      %add3A_175 = arith.constant 1024 : i32
      %add3A_176 = arith.addi %mul3A_174, %add3A_175 : i32
      %dma_start3A_177 = arith.constant 1024 : i32
      %dma_start3A_178 = arith.constant 0 : i32
      %dma_start3A_179 = tpu.memref_slice %arg9[%dma_start3A_177, %dma_start3A_178] : memref<3328x16xf32, #tpu.memory_space<vmem>> -> memref<128x16xf32, #tpu.memory_space<vmem>>
      %dma_start3A_180 = tpu.memref_slice %arg8[%add3A_176] : memref<13312xi32, #tpu.memory_space<vmem>> -> memref<128xi32, #tpu.memory_space<vmem>>
      %dma_start3A_181 = arith.constant 0 : i32
      %dma_start3A_182 = arith.constant 0 : i32
      %dma_start3A_183 = tpu.memref_slice %arg2[%dma_start3A_181, %dma_start3A_182] : memref<851968x16xf32, #tpu.memory_space<hbm>> -> memref<851968x16xf32, #tpu.memory_space<hbm>>
      tpu.enqueue_indirect_dma source(%dma_start3A_183 : memref<851968x16xf32, #tpu.memory_space<hbm>>) target(%dma_start3A_179 : memref<128x16xf32, #tpu.memory_space<vmem>>) offsets(%dma_start3A_180 : memref<128xi32, #tpu.memory_space<vmem>>) semaphore(%arg12 : memref<!tpu.dma_semaphore, #tpu.memory_space<semaphore_mem>>)
      %mul3A_184 = arith.constant 3328 : i32
      %mul3A_185 = arith.muli %scan3A_84, %mul3A_184 : i32
      %add3A_186 = arith.constant 1152 : i32
      %add3A_187 = arith.addi %mul3A_185, %add3A_186 : i32
      %dma_start3A_188 = arith.constant 1152 : i32
      %dma_start3A_189 = arith.constant 0 : i32
      %dma_start3A_190 = tpu.memref_slice %arg9[%dma_start3A_188, %dma_start3A_189] : memref<3328x16xf32, #tpu.memory_space<vmem>> -> memref<128x16xf32, #tpu.memory_space<vmem>>
      %dma_start3A_191 = tpu.memref_slice %arg8[%add3A_187] : memref<13312xi32, #tpu.memory_space<vmem>> -> memref<128xi32, #tpu.memory_space<vmem>>
      %dma_start3A_192 = arith.constant 0 : i32
      %dma_start3A_193 = arith.constant 0 : i32
      %dma_start3A_194 = tpu.memref_slice %arg2[%dma_start3A_192, %dma_start3A_193] : memref<851968x16xf32, #tpu.memory_space<hbm>> -> memref<851968x16xf32, #tpu.memory_space<hbm>>
      tpu.enqueue_indirect_dma source(%dma_start3A_194 : memref<851968x16xf32, #tpu.memory_space<hbm>>) target(%dma_start3A_190 : memref<128x16xf32, #tpu.memory_space<vmem>>) offsets(%dma_start3A_191 : memref<128xi32, #tpu.memory_space<vmem>>) semaphore(%arg12 : memref<!tpu.dma_semaphore, #tpu.memory_space<semaphore_mem>>)
      %mul3A_195 = arith.constant 3328 : i32
      %mul3A_196 = arith.muli %scan3A_84, %mul3A_195 : i32
      %add3A_197 = arith.constant 1280 : i32
      %add3A_198 = arith.addi %mul3A_196, %add3A_197 : i32
      %dma_start3A_199 = arith.constant 1280 : i32
      %dma_start3A_200 = arith.constant 0 : i32
      %dma_start3A_201 = tpu.memref_slice %arg9[%dma_start3A_199, %dma_start3A_200] : memref<3328x16xf32, #tpu.memory_space<vmem>> -> memref<128x16xf32, #tpu.memory_space<vmem>>
      %dma_start3A_202 = tpu.memref_slice %arg8[%add3A_198] : memref<13312xi32, #tpu.memory_space<vmem>> -> memref<128xi32, #tpu.memory_space<vmem>>
      %dma_start3A_203 = arith.constant 0 : i32
      %dma_start3A_204 = arith.constant 0 : i32
      %dma_start3A_205 = tpu.memref_slice %arg2[%dma_start3A_203, %dma_start3A_204] : memref<851968x16xf32, #tpu.memory_space<hbm>> -> memref<851968x16xf32, #tpu.memory_space<hbm>>
      tpu.enqueue_indirect_dma source(%dma_start3A_205 : memref<851968x16xf32, #tpu.memory_space<hbm>>) target(%dma_start3A_201 : memref<128x16xf32, #tpu.memory_space<vmem>>) offsets(%dma_start3A_202 : memref<128xi32, #tpu.memory_space<vmem>>) semaphore(%arg12 : memref<!tpu.dma_semaphore, #tpu.memory_space<semaphore_mem>>)
      %mul3A_206 = arith.constant 3328 : i32
      %mul3A_207 = arith.muli %scan3A_84, %mul3A_206 : i32
      %add3A_208 = arith.constant 1408 : i32
      %add3A_209 = arith.addi %mul3A_207, %add3A_208 : i32
      %dma_start3A_210 = arith.constant 1408 : i32
      %dma_start3A_211 = arith.constant 0 : i32
      %dma_start3A_212 = tpu.memref_slice %arg9[%dma_start3A_210, %dma_start3A_211] : memref<3328x16xf32, #tpu.memory_space<vmem>> -> memref<128x16xf32, #tpu.memory_space<vmem>>
      %dma_start3A_213 = tpu.memref_slice %arg8[%add3A_209] : memref<13312xi32, #tpu.memory_space<vmem>> -> memref<128xi32, #tpu.memory_space<vmem>>
      %dma_start3A_214 = arith.constant 0 : i32
      %dma_start3A_215 = arith.constant 0 : i32
      %dma_start3A_216 = tpu.memref_slice %arg2[%dma_start3A_214, %dma_start3A_215] : memref<851968x16xf32, #tpu.memory_space<hbm>> -> memref<851968x16xf32, #tpu.memory_space<hbm>>
      tpu.enqueue_indirect_dma source(%dma_start3A_216 : memref<851968x16xf32, #tpu.memory_space<hbm>>) target(%dma_start3A_212 : memref<128x16xf32, #tpu.memory_space<vmem>>) offsets(%dma_start3A_213 : memref<128xi32, #tpu.memory_space<vmem>>) semaphore(%arg12 : memref<!tpu.dma_semaphore, #tpu.memory_space<semaphore_mem>>)
      %mul3A_217 = arith.constant 3328 : i32
      %mul3A_218 = arith.muli %scan3A_84, %mul3A_217 : i32
      %add3A_219 = arith.constant 1536 : i32
      %add3A_220 = arith.addi %mul3A_218, %add3A_219 : i32
      %dma_start3A_221 = arith.constant 1536 : i32
      %dma_start3A_222 = arith.constant 0 : i32
      %dma_start3A_223 = tpu.memref_slice %arg9[%dma_start3A_221, %dma_start3A_222] : memref<3328x16xf32, #tpu.memory_space<vmem>> -> memref<128x16xf32, #tpu.memory_space<vmem>>
      %dma_start3A_224 = tpu.memref_slice %arg8[%add3A_220] : memref<13312xi32, #tpu.memory_space<vmem>> -> memref<128xi32, #tpu.memory_space<vmem>>
      %dma_start3A_225 = arith.constant 0 : i32
      %dma_start3A_226 = arith.constant 0 : i32
      %dma_start3A_227 = tpu.memref_slice %arg2[%dma_start3A_225, %dma_start3A_226] : memref<851968x16xf32, #tpu.memory_space<hbm>> -> memref<851968x16xf32, #tpu.memory_space<hbm>>
      tpu.enqueue_indirect_dma source(%dma_start3A_227 : memref<851968x16xf32, #tpu.memory_space<hbm>>) target(%dma_start3A_223 : memref<128x16xf32, #tpu.memory_space<vmem>>) offsets(%dma_start3A_224 : memref<128xi32, #tpu.memory_space<vmem>>) semaphore(%arg12 : memref<!tpu.dma_semaphore, #tpu.memory_space<semaphore_mem>>)
      %mul3A_228 = arith.constant 3328 : i32
      %mul3A_229 = arith.muli %scan3A_84, %mul3A_228 : i32
      %add3A_230 = arith.constant 1664 : i32
      %add3A_231 = arith.addi %mul3A_229, %add3A_230 : i32
      %dma_start3A_232 = arith.constant 1664 : i32
      %dma_start3A_233 = arith.constant 0 : i32
      %dma_start3A_234 = tpu.memref_slice %arg9[%dma_start3A_232, %dma_start3A_233] : memref<3328x16xf32, #tpu.memory_space<vmem>> -> memref<128x16xf32, #tpu.memory_space<vmem>>
      %dma_start3A_235 = tpu.memref_slice %arg8[%add3A_231] : memref<13312xi32, #tpu.memory_space<vmem>> -> memref<128xi32, #tpu.memory_space<vmem>>
      %dma_start3A_236 = arith.constant 0 : i32
      %dma_start3A_237 = arith.constant 0 : i32
      %dma_start3A_238 = tpu.memref_slice %arg2[%dma_start3A_236, %dma_start3A_237] : memref<851968x16xf32, #tpu.memory_space<hbm>> -> memref<851968x16xf32, #tpu.memory_space<hbm>>
      tpu.enqueue_indirect_dma source(%dma_start3A_238 : memref<851968x16xf32, #tpu.memory_space<hbm>>) target(%dma_start3A_234 : memref<128x16xf32, #tpu.memory_space<vmem>>) offsets(%dma_start3A_235 : memref<128xi32, #tpu.memory_space<vmem>>) semaphore(%arg12 : memref<!tpu.dma_semaphore, #tpu.memory_space<semaphore_mem>>)
      %mul3A_239 = arith.constant 3328 : i32
      %mul3A_240 = arith.muli %scan3A_84, %mul3A_239 : i32
      %add3A_241 = arith.constant 1792 : i32
      %add3A_242 = arith.addi %mul3A_240, %add3A_241 : i32
      %dma_start3A_243 = arith.constant 1792 : i32
      %dma_start3A_244 = arith.constant 0 : i32
      %dma_start3A_245 = tpu.memref_slice %arg9[%dma_start3A_243, %dma_start3A_244] : memref<3328x16xf32, #tpu.memory_space<vmem>> -> memref<128x16xf32, #tpu.memory_space<vmem>>
      %dma_start3A_246 = tpu.memref_slice %arg8[%add3A_242] : memref<13312xi32, #tpu.memory_space<vmem>> -> memref<128xi32, #tpu.memory_space<vmem>>
      %dma_start3A_247 = arith.constant 0 : i32
      %dma_start3A_248 = arith.constant 0 : i32
      %dma_start3A_249 = tpu.memref_slice %arg2[%dma_start3A_247, %dma_start3A_248] : memref<851968x16xf32, #tpu.memory_space<hbm>> -> memref<851968x16xf32, #tpu.memory_space<hbm>>
      tpu.enqueue_indirect_dma source(%dma_start3A_249 : memref<851968x16xf32, #tpu.memory_space<hbm>>) target(%dma_start3A_245 : memref<128x16xf32, #tpu.memory_space<vmem>>) offsets(%dma_start3A_246 : memref<128xi32, #tpu.memory_space<vmem>>) semaphore(%arg12 : memref<!tpu.dma_semaphore, #tpu.memory_space<semaphore_mem>>)
      %mul3A_250 = arith.constant 3328 : i32
      %mul3A_251 = arith.muli %scan3A_84, %mul3A_250 : i32
      %add3A_252 = arith.constant 1920 : i32
      %add3A_253 = arith.addi %mul3A_251, %add3A_252 : i32
      %dma_start3A_254 = arith.constant 1920 : i32
      %dma_start3A_255 = arith.constant 0 : i32
      %dma_start3A_256 = tpu.memref_slice %arg9[%dma_start3A_254, %dma_start3A_255] : memref<3328x16xf32, #tpu.memory_space<vmem>> -> memref<128x16xf32, #tpu.memory_space<vmem>>
      %dma_start3A_257 = tpu.memref_slice %arg8[%add3A_253] : memref<13312xi32, #tpu.memory_space<vmem>> -> memref<128xi32, #tpu.memory_space<vmem>>
      %dma_start3A_258 = arith.constant 0 : i32
      %dma_start3A_259 = arith.constant 0 : i32
      %dma_start3A_260 = tpu.memref_slice %arg2[%dma_start3A_258, %dma_start3A_259] : memref<851968x16xf32, #tpu.memory_space<hbm>> -> memref<851968x16xf32, #tpu.memory_space<hbm>>
      tpu.enqueue_indirect_dma source(%dma_start3A_260 : memref<851968x16xf32, #tpu.memory_space<hbm>>) target(%dma_start3A_256 : memref<128x16xf32, #tpu.memory_space<vmem>>) offsets(%dma_start3A_257 : memref<128xi32, #tpu.memory_space<vmem>>) semaphore(%arg12 : memref<!tpu.dma_semaphore, #tpu.memory_space<semaphore_mem>>)
      %mul3A_261 = arith.constant 3328 : i32
      %mul3A_262 = arith.muli %scan3A_84, %mul3A_261 : i32
      %add3A_263 = arith.constant 2048 : i32
      %add3A_264 = arith.addi %mul3A_262, %add3A_263 : i32
      %dma_start3A_265 = arith.constant 2048 : i32
      %dma_start3A_266 = arith.constant 0 : i32
      %dma_start3A_267 = tpu.memref_slice %arg9[%dma_start3A_265, %dma_start3A_266] : memref<3328x16xf32, #tpu.memory_space<vmem>> -> memref<128x16xf32, #tpu.memory_space<vmem>>
      %dma_start3A_268 = tpu.memref_slice %arg8[%add3A_264] : memref<13312xi32, #tpu.memory_space<vmem>> -> memref<128xi32, #tpu.memory_space<vmem>>
      %dma_start3A_269 = arith.constant 0 : i32
      %dma_start3A_270 = arith.constant 0 : i32
      %dma_start3A_271 = tpu.memref_slice %arg2[%dma_start3A_269, %dma_start3A_270] : memref<851968x16xf32, #tpu.memory_space<hbm>> -> memref<851968x16xf32, #tpu.memory_space<hbm>>
      tpu.enqueue_indirect_dma source(%dma_start3A_271 : memref<851968x16xf32, #tpu.memory_space<hbm>>) target(%dma_start3A_267 : memref<128x16xf32, #tpu.memory_space<vmem>>) offsets(%dma_start3A_268 : memref<128xi32, #tpu.memory_space<vmem>>) semaphore(%arg12 : memref<!tpu.dma_semaphore, #tpu.memory_space<semaphore_mem>>)
      %mul3A_272 = arith.constant 3328 : i32
      %mul3A_273 = arith.muli %scan3A_84, %mul3A_272 : i32
      %add3A_274 = arith.constant 2176 : i32
      %add3A_275 = arith.addi %mul3A_273, %add3A_274 : i32
      %dma_start3A_276 = arith.constant 2176 : i32
      %dma_start3A_277 = arith.constant 0 : i32
      %dma_start3A_278 = tpu.memref_slice %arg9[%dma_start3A_276, %dma_start3A_277] : memref<3328x16xf32, #tpu.memory_space<vmem>> -> memref<128x16xf32, #tpu.memory_space<vmem>>
      %dma_start3A_279 = tpu.memref_slice %arg8[%add3A_275] : memref<13312xi32, #tpu.memory_space<vmem>> -> memref<128xi32, #tpu.memory_space<vmem>>
      %dma_start3A_280 = arith.constant 0 : i32
      %dma_start3A_281 = arith.constant 0 : i32
      %dma_start3A_282 = tpu.memref_slice %arg2[%dma_start3A_280, %dma_start3A_281] : memref<851968x16xf32, #tpu.memory_space<hbm>> -> memref<851968x16xf32, #tpu.memory_space<hbm>>
      tpu.enqueue_indirect_dma source(%dma_start3A_282 : memref<851968x16xf32, #tpu.memory_space<hbm>>) target(%dma_start3A_278 : memref<128x16xf32, #tpu.memory_space<vmem>>) offsets(%dma_start3A_279 : memref<128xi32, #tpu.memory_space<vmem>>) semaphore(%arg12 : memref<!tpu.dma_semaphore, #tpu.memory_space<semaphore_mem>>)
      %mul3A_283 = arith.constant 3328 : i32
      %mul3A_284 = arith.muli %scan3A_84, %mul3A_283 : i32
      %add3A_285 = arith.constant 2304 : i32
      %add3A_286 = arith.addi %mul3A_284, %add3A_285 : i32
      %dma_start3A_287 = arith.constant 2304 : i32
      %dma_start3A_288 = arith.constant 0 : i32
      %dma_start3A_289 = tpu.memref_slice %arg9[%dma_start3A_287, %dma_start3A_288] : memref<3328x16xf32, #tpu.memory_space<vmem>> -> memref<128x16xf32, #tpu.memory_space<vmem>>
      %dma_start3A_290 = tpu.memref_slice %arg8[%add3A_286] : memref<13312xi32, #tpu.memory_space<vmem>> -> memref<128xi32, #tpu.memory_space<vmem>>
      %dma_start3A_291 = arith.constant 0 : i32
      %dma_start3A_292 = arith.constant 0 : i32
      %dma_start3A_293 = tpu.memref_slice %arg2[%dma_start3A_291, %dma_start3A_292] : memref<851968x16xf32, #tpu.memory_space<hbm>> -> memref<851968x16xf32, #tpu.memory_space<hbm>>
      tpu.enqueue_indirect_dma source(%dma_start3A_293 : memref<851968x16xf32, #tpu.memory_space<hbm>>) target(%dma_start3A_289 : memref<128x16xf32, #tpu.memory_space<vmem>>) offsets(%dma_start3A_290 : memref<128xi32, #tpu.memory_space<vmem>>) semaphore(%arg12 : memref<!tpu.dma_semaphore, #tpu.memory_space<semaphore_mem>>)
      %mul3A_294 = arith.constant 3328 : i32
      %mul3A_295 = arith.muli %scan3A_84, %mul3A_294 : i32
      %add3A_296 = arith.constant 2432 : i32
      %add3A_297 = arith.addi %mul3A_295, %add3A_296 : i32
      %dma_start3A_298 = arith.constant 2432 : i32
      %dma_start3A_299 = arith.constant 0 : i32
      %dma_start3A_300 = tpu.memref_slice %arg9[%dma_start3A_298, %dma_start3A_299] : memref<3328x16xf32, #tpu.memory_space<vmem>> -> memref<128x16xf32, #tpu.memory_space<vmem>>
      %dma_start3A_301 = tpu.memref_slice %arg8[%add3A_297] : memref<13312xi32, #tpu.memory_space<vmem>> -> memref<128xi32, #tpu.memory_space<vmem>>
      %dma_start3A_302 = arith.constant 0 : i32
      %dma_start3A_303 = arith.constant 0 : i32
      %dma_start3A_304 = tpu.memref_slice %arg2[%dma_start3A_302, %dma_start3A_303] : memref<851968x16xf32, #tpu.memory_space<hbm>> -> memref<851968x16xf32, #tpu.memory_space<hbm>>
      tpu.enqueue_indirect_dma source(%dma_start3A_304 : memref<851968x16xf32, #tpu.memory_space<hbm>>) target(%dma_start3A_300 : memref<128x16xf32, #tpu.memory_space<vmem>>) offsets(%dma_start3A_301 : memref<128xi32, #tpu.memory_space<vmem>>) semaphore(%arg12 : memref<!tpu.dma_semaphore, #tpu.memory_space<semaphore_mem>>)
      %mul3A_305 = arith.constant 3328 : i32
      %mul3A_306 = arith.muli %scan3A_84, %mul3A_305 : i32
      %add3A_307 = arith.constant 2560 : i32
      %add3A_308 = arith.addi %mul3A_306, %add3A_307 : i32
      %dma_start3A_309 = arith.constant 2560 : i32
      %dma_start3A_310 = arith.constant 0 : i32
      %dma_start3A_311 = tpu.memref_slice %arg9[%dma_start3A_309, %dma_start3A_310] : memref<3328x16xf32, #tpu.memory_space<vmem>> -> memref<128x16xf32, #tpu.memory_space<vmem>>
      %dma_start3A_312 = tpu.memref_slice %arg8[%add3A_308] : memref<13312xi32, #tpu.memory_space<vmem>> -> memref<128xi32, #tpu.memory_space<vmem>>
      %dma_start3A_313 = arith.constant 0 : i32
      %dma_start3A_314 = arith.constant 0 : i32
      %dma_start3A_315 = tpu.memref_slice %arg2[%dma_start3A_313, %dma_start3A_314] : memref<851968x16xf32, #tpu.memory_space<hbm>> -> memref<851968x16xf32, #tpu.memory_space<hbm>>
      tpu.enqueue_indirect_dma source(%dma_start3A_315 : memref<851968x16xf32, #tpu.memory_space<hbm>>) target(%dma_start3A_311 : memref<128x16xf32, #tpu.memory_space<vmem>>) offsets(%dma_start3A_312 : memref<128xi32, #tpu.memory_space<vmem>>) semaphore(%arg12 : memref<!tpu.dma_semaphore, #tpu.memory_space<semaphore_mem>>)
      %mul3A_316 = arith.constant 3328 : i32
      %mul3A_317 = arith.muli %scan3A_84, %mul3A_316 : i32
      %add3A_318 = arith.constant 2688 : i32
      %add3A_319 = arith.addi %mul3A_317, %add3A_318 : i32
      %dma_start3A_320 = arith.constant 2688 : i32
      %dma_start3A_321 = arith.constant 0 : i32
      %dma_start3A_322 = tpu.memref_slice %arg9[%dma_start3A_320, %dma_start3A_321] : memref<3328x16xf32, #tpu.memory_space<vmem>> -> memref<128x16xf32, #tpu.memory_space<vmem>>
      %dma_start3A_323 = tpu.memref_slice %arg8[%add3A_319] : memref<13312xi32, #tpu.memory_space<vmem>> -> memref<128xi32, #tpu.memory_space<vmem>>
      %dma_start3A_324 = arith.constant 0 : i32
      %dma_start3A_325 = arith.constant 0 : i32
      %dma_start3A_326 = tpu.memref_slice %arg2[%dma_start3A_324, %dma_start3A_325] : memref<851968x16xf32, #tpu.memory_space<hbm>> -> memref<851968x16xf32, #tpu.memory_space<hbm>>
      tpu.enqueue_indirect_dma source(%dma_start3A_326 : memref<851968x16xf32, #tpu.memory_space<hbm>>) target(%dma_start3A_322 : memref<128x16xf32, #tpu.memory_space<vmem>>) offsets(%dma_start3A_323 : memref<128xi32, #tpu.memory_space<vmem>>) semaphore(%arg12 : memref<!tpu.dma_semaphore, #tpu.memory_space<semaphore_mem>>)
      %mul3A_327 = arith.constant 3328 : i32
      %mul3A_328 = arith.muli %scan3A_84, %mul3A_327 : i32
      %add3A_329 = arith.constant 2816 : i32
      %add3A_330 = arith.addi %mul3A_328, %add3A_329 : i32
      %dma_start3A_331 = arith.constant 2816 : i32
      %dma_start3A_332 = arith.constant 0 : i32
      %dma_start3A_333 = tpu.memref_slice %arg9[%dma_start3A_331, %dma_start3A_332] : memref<3328x16xf32, #tpu.memory_space<vmem>> -> memref<128x16xf32, #tpu.memory_space<vmem>>
      %dma_start3A_334 = tpu.memref_slice %arg8[%add3A_330] : memref<13312xi32, #tpu.memory_space<vmem>> -> memref<128xi32, #tpu.memory_space<vmem>>
      %dma_start3A_335 = arith.constant 0 : i32
      %dma_start3A_336 = arith.constant 0 : i32
      %dma_start3A_337 = tpu.memref_slice %arg2[%dma_start3A_335, %dma_start3A_336] : memref<851968x16xf32, #tpu.memory_space<hbm>> -> memref<851968x16xf32, #tpu.memory_space<hbm>>
      tpu.enqueue_indirect_dma source(%dma_start3A_337 : memref<851968x16xf32, #tpu.memory_space<hbm>>) target(%dma_start3A_333 : memref<128x16xf32, #tpu.memory_space<vmem>>) offsets(%dma_start3A_334 : memref<128xi32, #tpu.memory_space<vmem>>) semaphore(%arg12 : memref<!tpu.dma_semaphore, #tpu.memory_space<semaphore_mem>>)
      %mul3A_338 = arith.constant 3328 : i32
      %mul3A_339 = arith.muli %scan3A_84, %mul3A_338 : i32
      %add3A_340 = arith.constant 2944 : i32
      %add3A_341 = arith.addi %mul3A_339, %add3A_340 : i32
      %dma_start3A_342 = arith.constant 2944 : i32
      %dma_start3A_343 = arith.constant 0 : i32
      %dma_start3A_344 = tpu.memref_slice %arg9[%dma_start3A_342, %dma_start3A_343] : memref<3328x16xf32, #tpu.memory_space<vmem>> -> memref<128x16xf32, #tpu.memory_space<vmem>>
      %dma_start3A_345 = tpu.memref_slice %arg8[%add3A_341] : memref<13312xi32, #tpu.memory_space<vmem>> -> memref<128xi32, #tpu.memory_space<vmem>>
      %dma_start3A_346 = arith.constant 0 : i32
      %dma_start3A_347 = arith.constant 0 : i32
      %dma_start3A_348 = tpu.memref_slice %arg2[%dma_start3A_346, %dma_start3A_347] : memref<851968x16xf32, #tpu.memory_space<hbm>> -> memref<851968x16xf32, #tpu.memory_space<hbm>>
      tpu.enqueue_indirect_dma source(%dma_start3A_348 : memref<851968x16xf32, #tpu.memory_space<hbm>>) target(%dma_start3A_344 : memref<128x16xf32, #tpu.memory_space<vmem>>) offsets(%dma_start3A_345 : memref<128xi32, #tpu.memory_space<vmem>>) semaphore(%arg12 : memref<!tpu.dma_semaphore, #tpu.memory_space<semaphore_mem>>)
      %mul3A_349 = arith.constant 3328 : i32
      %mul3A_350 = arith.muli %scan3A_84, %mul3A_349 : i32
      %add3A_351 = arith.constant 3072 : i32
      %add3A_352 = arith.addi %mul3A_350, %add3A_351 : i32
      %dma_start3A_353 = arith.constant 3072 : i32
      %dma_start3A_354 = arith.constant 0 : i32
      %dma_start3A_355 = tpu.memref_slice %arg9[%dma_start3A_353, %dma_start3A_354] : memref<3328x16xf32, #tpu.memory_space<vmem>> -> memref<128x16xf32, #tpu.memory_space<vmem>>
      %dma_start3A_356 = tpu.memref_slice %arg8[%add3A_352] : memref<13312xi32, #tpu.memory_space<vmem>> -> memref<128xi32, #tpu.memory_space<vmem>>
      %dma_start3A_357 = arith.constant 0 : i32
      %dma_start3A_358 = arith.constant 0 : i32
      %dma_start3A_359 = tpu.memref_slice %arg2[%dma_start3A_357, %dma_start3A_358] : memref<851968x16xf32, #tpu.memory_space<hbm>> -> memref<851968x16xf32, #tpu.memory_space<hbm>>
      tpu.enqueue_indirect_dma source(%dma_start3A_359 : memref<851968x16xf32, #tpu.memory_space<hbm>>) target(%dma_start3A_355 : memref<128x16xf32, #tpu.memory_space<vmem>>) offsets(%dma_start3A_356 : memref<128xi32, #tpu.memory_space<vmem>>) semaphore(%arg12 : memref<!tpu.dma_semaphore, #tpu.memory_space<semaphore_mem>>)
      %mul3A_360 = arith.constant 3328 : i32
      %mul3A_361 = arith.muli %scan3A_84, %mul3A_360 : i32
      %add3A_362 = arith.constant 3200 : i32
      %add3A_363 = arith.addi %mul3A_361, %add3A_362 : i32
      %dma_start3A_364 = arith.constant 3200 : i32
      %dma_start3A_365 = arith.constant 0 : i32
      %dma_start3A_366 = tpu.memref_slice %arg9[%dma_start3A_364, %dma_start3A_365] : memref<3328x16xf32, #tpu.memory_space<vmem>> -> memref<128x16xf32, #tpu.memory_space<vmem>>
      %dma_start3A_367 = tpu.memref_slice %arg8[%add3A_363] : memref<13312xi32, #tpu.memory_space<vmem>> -> memref<128xi32, #tpu.memory_space<vmem>>
      %dma_start3A_368 = arith.constant 0 : i32
      %dma_start3A_369 = arith.constant 0 : i32
      %dma_start3A_370 = tpu.memref_slice %arg2[%dma_start3A_368, %dma_start3A_369] : memref<851968x16xf32, #tpu.memory_space<hbm>> -> memref<851968x16xf32, #tpu.memory_space<hbm>>
      tpu.enqueue_indirect_dma source(%dma_start3A_370 : memref<851968x16xf32, #tpu.memory_space<hbm>>) target(%dma_start3A_366 : memref<128x16xf32, #tpu.memory_space<vmem>>) offsets(%dma_start3A_367 : memref<128xi32, #tpu.memory_space<vmem>>) semaphore(%arg12 : memref<!tpu.dma_semaphore, #tpu.memory_space<semaphore_mem>>)
      %dma_wait3A_371 = arith.constant 0 : i32
      %dma_wait3A_372 = arith.constant 0 : i32
      %dma_wait3A_373 = tpu.memref_slice %arg9[%dma_wait3A_371, %dma_wait3A_372] : memref<3328x16xf32, #tpu.memory_space<vmem>> -> memref<128x16xf32, #tpu.memory_space<vmem>>
      %dma_wait3A_374 = tpu.memref_slice %arg8[%add3A_88] : memref<13312xi32, #tpu.memory_space<vmem>> -> memref<128xi32, #tpu.memory_space<vmem>>
      %dma_wait3A_375 = arith.constant 0 : i32
      %dma_wait3A_376 = arith.constant 0 : i32
      %dma_wait3A_377 = tpu.memref_slice %arg2[%dma_wait3A_375, %dma_wait3A_376] : memref<851968x16xf32, #tpu.memory_space<hbm>> -> memref<851968x16xf32, #tpu.memory_space<hbm>>
      tpu.wait_indirect_dma semaphore(%arg12 : memref<!tpu.dma_semaphore, #tpu.memory_space<semaphore_mem>>) src(%dma_wait3A_377 : memref<851968x16xf32, #tpu.memory_space<hbm>>) dst(%dma_wait3A_373 : memref<128x16xf32, #tpu.memory_space<vmem>>)
      %dma_wait3A_378 = arith.constant 128 : i32
      %dma_wait3A_379 = arith.constant 0 : i32
      %dma_wait3A_380 = tpu.memref_slice %arg9[%dma_wait3A_378, %dma_wait3A_379] : memref<3328x16xf32, #tpu.memory_space<vmem>> -> memref<128x16xf32, #tpu.memory_space<vmem>>
      %dma_wait3A_381 = tpu.memref_slice %arg8[%add3A_99] : memref<13312xi32, #tpu.memory_space<vmem>> -> memref<128xi32, #tpu.memory_space<vmem>>
      %dma_wait3A_382 = arith.constant 0 : i32
      %dma_wait3A_383 = arith.constant 0 : i32
      %dma_wait3A_384 = tpu.memref_slice %arg2[%dma_wait3A_382, %dma_wait3A_383] : memref<851968x16xf32, #tpu.memory_space<hbm>> -> memref<851968x16xf32, #tpu.memory_space<hbm>>
      tpu.wait_indirect_dma semaphore(%arg12 : memref<!tpu.dma_semaphore, #tpu.memory_space<semaphore_mem>>) src(%dma_wait3A_384 : memref<851968x16xf32, #tpu.memory_space<hbm>>) dst(%dma_wait3A_380 : memref<128x16xf32, #tpu.memory_space<vmem>>)
      %dma_wait3A_385 = arith.constant 256 : i32
      %dma_wait3A_386 = arith.constant 0 : i32
      %dma_wait3A_387 = tpu.memref_slice %arg9[%dma_wait3A_385, %dma_wait3A_386] : memref<3328x16xf32, #tpu.memory_space<vmem>> -> memref<128x16xf32, #tpu.memory_space<vmem>>
      %dma_wait3A_388 = tpu.memref_slice %arg8[%add3A_110] : memref<13312xi32, #tpu.memory_space<vmem>> -> memref<128xi32, #tpu.memory_space<vmem>>
      %dma_wait3A_389 = arith.constant 0 : i32
      %dma_wait3A_390 = arith.constant 0 : i32
      %dma_wait3A_391 = tpu.memref_slice %arg2[%dma_wait3A_389, %dma_wait3A_390] : memref<851968x16xf32, #tpu.memory_space<hbm>> -> memref<851968x16xf32, #tpu.memory_space<hbm>>
      tpu.wait_indirect_dma semaphore(%arg12 : memref<!tpu.dma_semaphore, #tpu.memory_space<semaphore_mem>>) src(%dma_wait3A_391 : memref<851968x16xf32, #tpu.memory_space<hbm>>) dst(%dma_wait3A_387 : memref<128x16xf32, #tpu.memory_space<vmem>>)
      %dma_wait3A_392 = arith.constant 384 : i32
      %dma_wait3A_393 = arith.constant 0 : i32
      %dma_wait3A_394 = tpu.memref_slice %arg9[%dma_wait3A_392, %dma_wait3A_393] : memref<3328x16xf32, #tpu.memory_space<vmem>> -> memref<128x16xf32, #tpu.memory_space<vmem>>
      %dma_wait3A_395 = tpu.memref_slice %arg8[%add3A_121] : memref<13312xi32, #tpu.memory_space<vmem>> -> memref<128xi32, #tpu.memory_space<vmem>>
      %dma_wait3A_396 = arith.constant 0 : i32
      %dma_wait3A_397 = arith.constant 0 : i32
      %dma_wait3A_398 = tpu.memref_slice %arg2[%dma_wait3A_396, %dma_wait3A_397] : memref<851968x16xf32, #tpu.memory_space<hbm>> -> memref<851968x16xf32, #tpu.memory_space<hbm>>
      tpu.wait_indirect_dma semaphore(%arg12 : memref<!tpu.dma_semaphore, #tpu.memory_space<semaphore_mem>>) src(%dma_wait3A_398 : memref<851968x16xf32, #tpu.memory_space<hbm>>) dst(%dma_wait3A_394 : memref<128x16xf32, #tpu.memory_space<vmem>>)
      %dma_wait3A_399 = arith.constant 512 : i32
      %dma_wait3A_400 = arith.constant 0 : i32
      %dma_wait3A_401 = tpu.memref_slice %arg9[%dma_wait3A_399, %dma_wait3A_400] : memref<3328x16xf32, #tpu.memory_space<vmem>> -> memref<128x16xf32, #tpu.memory_space<vmem>>
      %dma_wait3A_402 = tpu.memref_slice %arg8[%add3A_132] : memref<13312xi32, #tpu.memory_space<vmem>> -> memref<128xi32, #tpu.memory_space<vmem>>
      %dma_wait3A_403 = arith.constant 0 : i32
      %dma_wait3A_404 = arith.constant 0 : i32
      %dma_wait3A_405 = tpu.memref_slice %arg2[%dma_wait3A_403, %dma_wait3A_404] : memref<851968x16xf32, #tpu.memory_space<hbm>> -> memref<851968x16xf32, #tpu.memory_space<hbm>>
      tpu.wait_indirect_dma semaphore(%arg12 : memref<!tpu.dma_semaphore, #tpu.memory_space<semaphore_mem>>) src(%dma_wait3A_405 : memref<851968x16xf32, #tpu.memory_space<hbm>>) dst(%dma_wait3A_401 : memref<128x16xf32, #tpu.memory_space<vmem>>)
      %dma_wait3A_406 = arith.constant 640 : i32
      %dma_wait3A_407 = arith.constant 0 : i32
      %dma_wait3A_408 = tpu.memref_slice %arg9[%dma_wait3A_406, %dma_wait3A_407] : memref<3328x16xf32, #tpu.memory_space<vmem>> -> memref<128x16xf32, #tpu.memory_space<vmem>>
      %dma_wait3A_409 = tpu.memref_slice %arg8[%add3A_143] : memref<13312xi32, #tpu.memory_space<vmem>> -> memref<128xi32, #tpu.memory_space<vmem>>
      %dma_wait3A_410 = arith.constant 0 : i32
      %dma_wait3A_411 = arith.constant 0 : i32
      %dma_wait3A_412 = tpu.memref_slice %arg2[%dma_wait3A_410, %dma_wait3A_411] : memref<851968x16xf32, #tpu.memory_space<hbm>> -> memref<851968x16xf32, #tpu.memory_space<hbm>>
      tpu.wait_indirect_dma semaphore(%arg12 : memref<!tpu.dma_semaphore, #tpu.memory_space<semaphore_mem>>) src(%dma_wait3A_412 : memref<851968x16xf32, #tpu.memory_space<hbm>>) dst(%dma_wait3A_408 : memref<128x16xf32, #tpu.memory_space<vmem>>)
      %dma_wait3A_413 = arith.constant 768 : i32
      %dma_wait3A_414 = arith.constant 0 : i32
      %dma_wait3A_415 = tpu.memref_slice %arg9[%dma_wait3A_413, %dma_wait3A_414] : memref<3328x16xf32, #tpu.memory_space<vmem>> -> memref<128x16xf32, #tpu.memory_space<vmem>>
      %dma_wait3A_416 = tpu.memref_slice %arg8[%add3A_154] : memref<13312xi32, #tpu.memory_space<vmem>> -> memref<128xi32, #tpu.memory_space<vmem>>
      %dma_wait3A_417 = arith.constant 0 : i32
      %dma_wait3A_418 = arith.constant 0 : i32
      %dma_wait3A_419 = tpu.memref_slice %arg2[%dma_wait3A_417, %dma_wait3A_418] : memref<851968x16xf32, #tpu.memory_space<hbm>> -> memref<851968x16xf32, #tpu.memory_space<hbm>>
      tpu.wait_indirect_dma semaphore(%arg12 : memref<!tpu.dma_semaphore, #tpu.memory_space<semaphore_mem>>) src(%dma_wait3A_419 : memref<851968x16xf32, #tpu.memory_space<hbm>>) dst(%dma_wait3A_415 : memref<128x16xf32, #tpu.memory_space<vmem>>)
      %dma_wait3A_420 = arith.constant 896 : i32
      %dma_wait3A_421 = arith.constant 0 : i32
      %dma_wait3A_422 = tpu.memref_slice %arg9[%dma_wait3A_420, %dma_wait3A_421] : memref<3328x16xf32, #tpu.memory_space<vmem>> -> memref<128x16xf32, #tpu.memory_space<vmem>>
      %dma_wait3A_423 = tpu.memref_slice %arg8[%add3A_165] : memref<13312xi32, #tpu.memory_space<vmem>> -> memref<128xi32, #tpu.memory_space<vmem>>
      %dma_wait3A_424 = arith.constant 0 : i32
      %dma_wait3A_425 = arith.constant 0 : i32
      %dma_wait3A_426 = tpu.memref_slice %arg2[%dma_wait3A_424, %dma_wait3A_425] : memref<851968x16xf32, #tpu.memory_space<hbm>> -> memref<851968x16xf32, #tpu.memory_space<hbm>>
      tpu.wait_indirect_dma semaphore(%arg12 : memref<!tpu.dma_semaphore, #tpu.memory_space<semaphore_mem>>) src(%dma_wait3A_426 : memref<851968x16xf32, #tpu.memory_space<hbm>>) dst(%dma_wait3A_422 : memref<128x16xf32, #tpu.memory_space<vmem>>)
      %dma_wait3A_427 = arith.constant 1024 : i32
      %dma_wait3A_428 = arith.constant 0 : i32
      %dma_wait3A_429 = tpu.memref_slice %arg9[%dma_wait3A_427, %dma_wait3A_428] : memref<3328x16xf32, #tpu.memory_space<vmem>> -> memref<128x16xf32, #tpu.memory_space<vmem>>
      %dma_wait3A_430 = tpu.memref_slice %arg8[%add3A_176] : memref<13312xi32, #tpu.memory_space<vmem>> -> memref<128xi32, #tpu.memory_space<vmem>>
      %dma_wait3A_431 = arith.constant 0 : i32
      %dma_wait3A_432 = arith.constant 0 : i32
      %dma_wait3A_433 = tpu.memref_slice %arg2[%dma_wait3A_431, %dma_wait3A_432] : memref<851968x16xf32, #tpu.memory_space<hbm>> -> memref<851968x16xf32, #tpu.memory_space<hbm>>
      tpu.wait_indirect_dma semaphore(%arg12 : memref<!tpu.dma_semaphore, #tpu.memory_space<semaphore_mem>>) src(%dma_wait3A_433 : memref<851968x16xf32, #tpu.memory_space<hbm>>) dst(%dma_wait3A_429 : memref<128x16xf32, #tpu.memory_space<vmem>>)
      %dma_wait3A_434 = arith.constant 1152 : i32
      %dma_wait3A_435 = arith.constant 0 : i32
      %dma_wait3A_436 = tpu.memref_slice %arg9[%dma_wait3A_434, %dma_wait3A_435] : memref<3328x16xf32, #tpu.memory_space<vmem>> -> memref<128x16xf32, #tpu.memory_space<vmem>>
      %dma_wait3A_437 = tpu.memref_slice %arg8[%add3A_187] : memref<13312xi32, #tpu.memory_space<vmem>> -> memref<128xi32, #tpu.memory_space<vmem>>
      %dma_wait3A_438 = arith.constant 0 : i32
      %dma_wait3A_439 = arith.constant 0 : i32
      %dma_wait3A_440 = tpu.memref_slice %arg2[%dma_wait3A_438, %dma_wait3A_439] : memref<851968x16xf32, #tpu.memory_space<hbm>> -> memref<851968x16xf32, #tpu.memory_space<hbm>>
      tpu.wait_indirect_dma semaphore(%arg12 : memref<!tpu.dma_semaphore, #tpu.memory_space<semaphore_mem>>) src(%dma_wait3A_440 : memref<851968x16xf32, #tpu.memory_space<hbm>>) dst(%dma_wait3A_436 : memref<128x16xf32, #tpu.memory_space<vmem>>)
      %dma_wait3A_441 = arith.constant 1280 : i32
      %dma_wait3A_442 = arith.constant 0 : i32
      %dma_wait3A_443 = tpu.memref_slice %arg9[%dma_wait3A_441, %dma_wait3A_442] : memref<3328x16xf32, #tpu.memory_space<vmem>> -> memref<128x16xf32, #tpu.memory_space<vmem>>
      %dma_wait3A_444 = tpu.memref_slice %arg8[%add3A_198] : memref<13312xi32, #tpu.memory_space<vmem>> -> memref<128xi32, #tpu.memory_space<vmem>>
      %dma_wait3A_445 = arith.constant 0 : i32
      %dma_wait3A_446 = arith.constant 0 : i32
      %dma_wait3A_447 = tpu.memref_slice %arg2[%dma_wait3A_445, %dma_wait3A_446] : memref<851968x16xf32, #tpu.memory_space<hbm>> -> memref<851968x16xf32, #tpu.memory_space<hbm>>
      tpu.wait_indirect_dma semaphore(%arg12 : memref<!tpu.dma_semaphore, #tpu.memory_space<semaphore_mem>>) src(%dma_wait3A_447 : memref<851968x16xf32, #tpu.memory_space<hbm>>) dst(%dma_wait3A_443 : memref<128x16xf32, #tpu.memory_space<vmem>>)
      %dma_wait3A_448 = arith.constant 1408 : i32
      %dma_wait3A_449 = arith.constant 0 : i32
      %dma_wait3A_450 = tpu.memref_slice %arg9[%dma_wait3A_448, %dma_wait3A_449] : memref<3328x16xf32, #tpu.memory_space<vmem>> -> memref<128x16xf32, #tpu.memory_space<vmem>>
      %dma_wait3A_451 = tpu.memref_slice %arg8[%add3A_209] : memref<13312xi32, #tpu.memory_space<vmem>> -> memref<128xi32, #tpu.memory_space<vmem>>
      %dma_wait3A_452 = arith.constant 0 : i32
      %dma_wait3A_453 = arith.constant 0 : i32
      %dma_wait3A_454 = tpu.memref_slice %arg2[%dma_wait3A_452, %dma_wait3A_453] : memref<851968x16xf32, #tpu.memory_space<hbm>> -> memref<851968x16xf32, #tpu.memory_space<hbm>>
      tpu.wait_indirect_dma semaphore(%arg12 : memref<!tpu.dma_semaphore, #tpu.memory_space<semaphore_mem>>) src(%dma_wait3A_454 : memref<851968x16xf32, #tpu.memory_space<hbm>>) dst(%dma_wait3A_450 : memref<128x16xf32, #tpu.memory_space<vmem>>)
      %dma_wait3A_455 = arith.constant 1536 : i32
      %dma_wait3A_456 = arith.constant 0 : i32
      %dma_wait3A_457 = tpu.memref_slice %arg9[%dma_wait3A_455, %dma_wait3A_456] : memref<3328x16xf32, #tpu.memory_space<vmem>> -> memref<128x16xf32, #tpu.memory_space<vmem>>
      %dma_wait3A_458 = tpu.memref_slice %arg8[%add3A_220] : memref<13312xi32, #tpu.memory_space<vmem>> -> memref<128xi32, #tpu.memory_space<vmem>>
      %dma_wait3A_459 = arith.constant 0 : i32
      %dma_wait3A_460 = arith.constant 0 : i32
      %dma_wait3A_461 = tpu.memref_slice %arg2[%dma_wait3A_459, %dma_wait3A_460] : memref<851968x16xf32, #tpu.memory_space<hbm>> -> memref<851968x16xf32, #tpu.memory_space<hbm>>
      tpu.wait_indirect_dma semaphore(%arg12 : memref<!tpu.dma_semaphore, #tpu.memory_space<semaphore_mem>>) src(%dma_wait3A_461 : memref<851968x16xf32, #tpu.memory_space<hbm>>) dst(%dma_wait3A_457 : memref<128x16xf32, #tpu.memory_space<vmem>>)
      %dma_wait3A_462 = arith.constant 1664 : i32
      %dma_wait3A_463 = arith.constant 0 : i32
      %dma_wait3A_464 = tpu.memref_slice %arg9[%dma_wait3A_462, %dma_wait3A_463] : memref<3328x16xf32, #tpu.memory_space<vmem>> -> memref<128x16xf32, #tpu.memory_space<vmem>>
      %dma_wait3A_465 = tpu.memref_slice %arg8[%add3A_231] : memref<13312xi32, #tpu.memory_space<vmem>> -> memref<128xi32, #tpu.memory_space<vmem>>
      %dma_wait3A_466 = arith.constant 0 : i32
      %dma_wait3A_467 = arith.constant 0 : i32
      %dma_wait3A_468 = tpu.memref_slice %arg2[%dma_wait3A_466, %dma_wait3A_467] : memref<851968x16xf32, #tpu.memory_space<hbm>> -> memref<851968x16xf32, #tpu.memory_space<hbm>>
      tpu.wait_indirect_dma semaphore(%arg12 : memref<!tpu.dma_semaphore, #tpu.memory_space<semaphore_mem>>) src(%dma_wait3A_468 : memref<851968x16xf32, #tpu.memory_space<hbm>>) dst(%dma_wait3A_464 : memref<128x16xf32, #tpu.memory_space<vmem>>)
      %dma_wait3A_469 = arith.constant 1792 : i32
      %dma_wait3A_470 = arith.constant 0 : i32
      %dma_wait3A_471 = tpu.memref_slice %arg9[%dma_wait3A_469, %dma_wait3A_470] : memref<3328x16xf32, #tpu.memory_space<vmem>> -> memref<128x16xf32, #tpu.memory_space<vmem>>
      %dma_wait3A_472 = tpu.memref_slice %arg8[%add3A_242] : memref<13312xi32, #tpu.memory_space<vmem>> -> memref<128xi32, #tpu.memory_space<vmem>>
      %dma_wait3A_473 = arith.constant 0 : i32
      %dma_wait3A_474 = arith.constant 0 : i32
      %dma_wait3A_475 = tpu.memref_slice %arg2[%dma_wait3A_473, %dma_wait3A_474] : memref<851968x16xf32, #tpu.memory_space<hbm>> -> memref<851968x16xf32, #tpu.memory_space<hbm>>
      tpu.wait_indirect_dma semaphore(%arg12 : memref<!tpu.dma_semaphore, #tpu.memory_space<semaphore_mem>>) src(%dma_wait3A_475 : memref<851968x16xf32, #tpu.memory_space<hbm>>) dst(%dma_wait3A_471 : memref<128x16xf32, #tpu.memory_space<vmem>>)
      %dma_wait3A_476 = arith.constant 1920 : i32
      %dma_wait3A_477 = arith.constant 0 : i32
      %dma_wait3A_478 = tpu.memref_slice %arg9[%dma_wait3A_476, %dma_wait3A_477] : memref<3328x16xf32, #tpu.memory_space<vmem>> -> memref<128x16xf32, #tpu.memory_space<vmem>>
      %dma_wait3A_479 = tpu.memref_slice %arg8[%add3A_253] : memref<13312xi32, #tpu.memory_space<vmem>> -> memref<128xi32, #tpu.memory_space<vmem>>
      %dma_wait3A_480 = arith.constant 0 : i32
      %dma_wait3A_481 = arith.constant 0 : i32
      %dma_wait3A_482 = tpu.memref_slice %arg2[%dma_wait3A_480, %dma_wait3A_481] : memref<851968x16xf32, #tpu.memory_space<hbm>> -> memref<851968x16xf32, #tpu.memory_space<hbm>>
      tpu.wait_indirect_dma semaphore(%arg12 : memref<!tpu.dma_semaphore, #tpu.memory_space<semaphore_mem>>) src(%dma_wait3A_482 : memref<851968x16xf32, #tpu.memory_space<hbm>>) dst(%dma_wait3A_478 : memref<128x16xf32, #tpu.memory_space<vmem>>)
      %dma_wait3A_483 = arith.constant 2048 : i32
      %dma_wait3A_484 = arith.constant 0 : i32
      %dma_wait3A_485 = tpu.memref_slice %arg9[%dma_wait3A_483, %dma_wait3A_484] : memref<3328x16xf32, #tpu.memory_space<vmem>> -> memref<128x16xf32, #tpu.memory_space<vmem>>
      %dma_wait3A_486 = tpu.memref_slice %arg8[%add3A_264] : memref<13312xi32, #tpu.memory_space<vmem>> -> memref<128xi32, #tpu.memory_space<vmem>>
      %dma_wait3A_487 = arith.constant 0 : i32
      %dma_wait3A_488 = arith.constant 0 : i32
      %dma_wait3A_489 = tpu.memref_slice %arg2[%dma_wait3A_487, %dma_wait3A_488] : memref<851968x16xf32, #tpu.memory_space<hbm>> -> memref<851968x16xf32, #tpu.memory_space<hbm>>
      tpu.wait_indirect_dma semaphore(%arg12 : memref<!tpu.dma_semaphore, #tpu.memory_space<semaphore_mem>>) src(%dma_wait3A_489 : memref<851968x16xf32, #tpu.memory_space<hbm>>) dst(%dma_wait3A_485 : memref<128x16xf32, #tpu.memory_space<vmem>>)
      %dma_wait3A_490 = arith.constant 2176 : i32
      %dma_wait3A_491 = arith.constant 0 : i32
      %dma_wait3A_492 = tpu.memref_slice %arg9[%dma_wait3A_490, %dma_wait3A_491] : memref<3328x16xf32, #tpu.memory_space<vmem>> -> memref<128x16xf32, #tpu.memory_space<vmem>>
      %dma_wait3A_493 = tpu.memref_slice %arg8[%add3A_275] : memref<13312xi32, #tpu.memory_space<vmem>> -> memref<128xi32, #tpu.memory_space<vmem>>
      %dma_wait3A_494 = arith.constant 0 : i32
      %dma_wait3A_495 = arith.constant 0 : i32
      %dma_wait3A_496 = tpu.memref_slice %arg2[%dma_wait3A_494, %dma_wait3A_495] : memref<851968x16xf32, #tpu.memory_space<hbm>> -> memref<851968x16xf32, #tpu.memory_space<hbm>>
      tpu.wait_indirect_dma semaphore(%arg12 : memref<!tpu.dma_semaphore, #tpu.memory_space<semaphore_mem>>) src(%dma_wait3A_496 : memref<851968x16xf32, #tpu.memory_space<hbm>>) dst(%dma_wait3A_492 : memref<128x16xf32, #tpu.memory_space<vmem>>)
      %dma_wait3A_497 = arith.constant 2304 : i32
      %dma_wait3A_498 = arith.constant 0 : i32
      %dma_wait3A_499 = tpu.memref_slice %arg9[%dma_wait3A_497, %dma_wait3A_498] : memref<3328x16xf32, #tpu.memory_space<vmem>> -> memref<128x16xf32, #tpu.memory_space<vmem>>
      %dma_wait3A_500 = tpu.memref_slice %arg8[%add3A_286] : memref<13312xi32, #tpu.memory_space<vmem>> -> memref<128xi32, #tpu.memory_space<vmem>>
      %dma_wait3A_501 = arith.constant 0 : i32
      %dma_wait3A_502 = arith.constant 0 : i32
      %dma_wait3A_503 = tpu.memref_slice %arg2[%dma_wait3A_501, %dma_wait3A_502] : memref<851968x16xf32, #tpu.memory_space<hbm>> -> memref<851968x16xf32, #tpu.memory_space<hbm>>
      tpu.wait_indirect_dma semaphore(%arg12 : memref<!tpu.dma_semaphore, #tpu.memory_space<semaphore_mem>>) src(%dma_wait3A_503 : memref<851968x16xf32, #tpu.memory_space<hbm>>) dst(%dma_wait3A_499 : memref<128x16xf32, #tpu.memory_space<vmem>>)
      %dma_wait3A_504 = arith.constant 2432 : i32
      %dma_wait3A_505 = arith.constant 0 : i32
      %dma_wait3A_506 = tpu.memref_slice %arg9[%dma_wait3A_504, %dma_wait3A_505] : memref<3328x16xf32, #tpu.memory_space<vmem>> -> memref<128x16xf32, #tpu.memory_space<vmem>>
      %dma_wait3A_507 = tpu.memref_slice %arg8[%add3A_297] : memref<13312xi32, #tpu.memory_space<vmem>> -> memref<128xi32, #tpu.memory_space<vmem>>
      %dma_wait3A_508 = arith.constant 0 : i32
      %dma_wait3A_509 = arith.constant 0 : i32
      %dma_wait3A_510 = tpu.memref_slice %arg2[%dma_wait3A_508, %dma_wait3A_509] : memref<851968x16xf32, #tpu.memory_space<hbm>> -> memref<851968x16xf32, #tpu.memory_space<hbm>>
      tpu.wait_indirect_dma semaphore(%arg12 : memref<!tpu.dma_semaphore, #tpu.memory_space<semaphore_mem>>) src(%dma_wait3A_510 : memref<851968x16xf32, #tpu.memory_space<hbm>>) dst(%dma_wait3A_506 : memref<128x16xf32, #tpu.memory_space<vmem>>)
      %dma_wait3A_511 = arith.constant 2560 : i32
      %dma_wait3A_512 = arith.constant 0 : i32
      %dma_wait3A_513 = tpu.memref_slice %arg9[%dma_wait3A_511, %dma_wait3A_512] : memref<3328x16xf32, #tpu.memory_space<vmem>> -> memref<128x16xf32, #tpu.memory_space<vmem>>
      %dma_wait3A_514 = tpu.memref_slice %arg8[%add3A_308] : memref<13312xi32, #tpu.memory_space<vmem>> -> memref<128xi32, #tpu.memory_space<vmem>>
      %dma_wait3A_515 = arith.constant 0 : i32
      %dma_wait3A_516 = arith.constant 0 : i32
      %dma_wait3A_517 = tpu.memref_slice %arg2[%dma_wait3A_515, %dma_wait3A_516] : memref<851968x16xf32, #tpu.memory_space<hbm>> -> memref<851968x16xf32, #tpu.memory_space<hbm>>
      tpu.wait_indirect_dma semaphore(%arg12 : memref<!tpu.dma_semaphore, #tpu.memory_space<semaphore_mem>>) src(%dma_wait3A_517 : memref<851968x16xf32, #tpu.memory_space<hbm>>) dst(%dma_wait3A_513 : memref<128x16xf32, #tpu.memory_space<vmem>>)
      %dma_wait3A_518 = arith.constant 2688 : i32
      %dma_wait3A_519 = arith.constant 0 : i32
      %dma_wait3A_520 = tpu.memref_slice %arg9[%dma_wait3A_518, %dma_wait3A_519] : memref<3328x16xf32, #tpu.memory_space<vmem>> -> memref<128x16xf32, #tpu.memory_space<vmem>>
      %dma_wait3A_521 = tpu.memref_slice %arg8[%add3A_319] : memref<13312xi32, #tpu.memory_space<vmem>> -> memref<128xi32, #tpu.memory_space<vmem>>
      %dma_wait3A_522 = arith.constant 0 : i32
      %dma_wait3A_523 = arith.constant 0 : i32
      %dma_wait3A_524 = tpu.memref_slice %arg2[%dma_wait3A_522, %dma_wait3A_523] : memref<851968x16xf32, #tpu.memory_space<hbm>> -> memref<851968x16xf32, #tpu.memory_space<hbm>>
      tpu.wait_indirect_dma semaphore(%arg12 : memref<!tpu.dma_semaphore, #tpu.memory_space<semaphore_mem>>) src(%dma_wait3A_524 : memref<851968x16xf32, #tpu.memory_space<hbm>>) dst(%dma_wait3A_520 : memref<128x16xf32, #tpu.memory_space<vmem>>)
      %dma_wait3A_525 = arith.constant 2816 : i32
      %dma_wait3A_526 = arith.constant 0 : i32
      %dma_wait3A_527 = tpu.memref_slice %arg9[%dma_wait3A_525, %dma_wait3A_526] : memref<3328x16xf32, #tpu.memory_space<vmem>> -> memref<128x16xf32, #tpu.memory_space<vmem>>
      %dma_wait3A_528 = tpu.memref_slice %arg8[%add3A_330] : memref<13312xi32, #tpu.memory_space<vmem>> -> memref<128xi32, #tpu.memory_space<vmem>>
      %dma_wait3A_529 = arith.constant 0 : i32
      %dma_wait3A_530 = arith.constant 0 : i32
      %dma_wait3A_531 = tpu.memref_slice %arg2[%dma_wait3A_529, %dma_wait3A_530] : memref<851968x16xf32, #tpu.memory_space<hbm>> -> memref<851968x16xf32, #tpu.memory_space<hbm>>
      tpu.wait_indirect_dma semaphore(%arg12 : memref<!tpu.dma_semaphore, #tpu.memory_space<semaphore_mem>>) src(%dma_wait3A_531 : memref<851968x16xf32, #tpu.memory_space<hbm>>) dst(%dma_wait3A_527 : memref<128x16xf32, #tpu.memory_space<vmem>>)
      %dma_wait3A_532 = arith.constant 2944 : i32
      %dma_wait3A_533 = arith.constant 0 : i32
      %dma_wait3A_534 = tpu.memref_slice %arg9[%dma_wait3A_532, %dma_wait3A_533] : memref<3328x16xf32, #tpu.memory_space<vmem>> -> memref<128x16xf32, #tpu.memory_space<vmem>>
      %dma_wait3A_535 = tpu.memref_slice %arg8[%add3A_341] : memref<13312xi32, #tpu.memory_space<vmem>> -> memref<128xi32, #tpu.memory_space<vmem>>
      %dma_wait3A_536 = arith.constant 0 : i32
      %dma_wait3A_537 = arith.constant 0 : i32
      %dma_wait3A_538 = tpu.memref_slice %arg2[%dma_wait3A_536, %dma_wait3A_537] : memref<851968x16xf32, #tpu.memory_space<hbm>> -> memref<851968x16xf32, #tpu.memory_space<hbm>>
      tpu.wait_indirect_dma semaphore(%arg12 : memref<!tpu.dma_semaphore, #tpu.memory_space<semaphore_mem>>) src(%dma_wait3A_538 : memref<851968x16xf32, #tpu.memory_space<hbm>>) dst(%dma_wait3A_534 : memref<128x16xf32, #tpu.memory_space<vmem>>)
      %dma_wait3A_539 = arith.constant 3072 : i32
      %dma_wait3A_540 = arith.constant 0 : i32
      %dma_wait3A_541 = tpu.memref_slice %arg9[%dma_wait3A_539, %dma_wait3A_540] : memref<3328x16xf32, #tpu.memory_space<vmem>> -> memref<128x16xf32, #tpu.memory_space<vmem>>
      %dma_wait3A_542 = tpu.memref_slice %arg8[%add3A_352] : memref<13312xi32, #tpu.memory_space<vmem>> -> memref<128xi32, #tpu.memory_space<vmem>>
      %dma_wait3A_543 = arith.constant 0 : i32
      %dma_wait3A_544 = arith.constant 0 : i32
      %dma_wait3A_545 = tpu.memref_slice %arg2[%dma_wait3A_543, %dma_wait3A_544] : memref<851968x16xf32, #tpu.memory_space<hbm>> -> memref<851968x16xf32, #tpu.memory_space<hbm>>
      tpu.wait_indirect_dma semaphore(%arg12 : memref<!tpu.dma_semaphore, #tpu.memory_space<semaphore_mem>>) src(%dma_wait3A_545 : memref<851968x16xf32, #tpu.memory_space<hbm>>) dst(%dma_wait3A_541 : memref<128x16xf32, #tpu.memory_space<vmem>>)
      %dma_wait3A_546 = arith.constant 3200 : i32
      %dma_wait3A_547 = arith.constant 0 : i32
      %dma_wait3A_548 = tpu.memref_slice %arg9[%dma_wait3A_546, %dma_wait3A_547] : memref<3328x16xf32, #tpu.memory_space<vmem>> -> memref<128x16xf32, #tpu.memory_space<vmem>>
      %dma_wait3A_549 = tpu.memref_slice %arg8[%add3A_363] : memref<13312xi32, #tpu.memory_space<vmem>> -> memref<128xi32, #tpu.memory_space<vmem>>
      %dma_wait3A_550 = arith.constant 0 : i32
      %dma_wait3A_551 = arith.constant 0 : i32
      %dma_wait3A_552 = tpu.memref_slice %arg2[%dma_wait3A_550, %dma_wait3A_551] : memref<851968x16xf32, #tpu.memory_space<hbm>> -> memref<851968x16xf32, #tpu.memory_space<hbm>>
      tpu.wait_indirect_dma semaphore(%arg12 : memref<!tpu.dma_semaphore, #tpu.memory_space<semaphore_mem>>) src(%dma_wait3A_552 : memref<851968x16xf32, #tpu.memory_space<hbm>>) dst(%dma_wait3A_548 : memref<128x16xf32, #tpu.memory_space<vmem>>)
      %mul3A_553 = arith.constant 3328 : i32
      %mul3A_554 = arith.muli %scan3A_84, %mul3A_553 : i32
      %add3A_555 = arith.addi %mul3A_2, %mul3A_554 : i32
      "tpu.region"() ({
        %run_scoped3A = tpu.sem_alloc : memref<!tpu.dma_semaphore, #tpu.memory_space<semaphore_mem>>
        %dma_start3A_556 = arith.constant 0 : i32
        %dma_start3A_557 = tpu.memref_slice %arg6[%add3A_555, %dma_start3A_556] : memref<425984x16xf32, #tpu.memory_space<hbm>> -> memref<3328x16xf32, #tpu.memory_space<hbm>>
        %dma_start3A_558 = arith.constant 0 : i32
        %dma_start3A_559 = tpu.memref_slice %arg6[%add3A_555, %dma_start3A_558] : memref<425984x16xf32, #tpu.memory_space<hbm>> -> memref<3328x16xf32, #tpu.memory_space<hbm>>
        tpu.enqueue_dma source(%arg9 : memref<3328x16xf32, #tpu.memory_space<vmem>>) target(%dma_start3A_559 : memref<3328x16xf32, #tpu.memory_space<hbm>>) target_semaphore(%run_scoped3A : memref<!tpu.dma_semaphore, #tpu.memory_space<semaphore_mem>>)
        %dma_wait3A_560 = arith.constant 0 : i32
        %dma_wait3A_561 = tpu.memref_slice %arg6[%add3A_555, %dma_wait3A_560] : memref<425984x16xf32, #tpu.memory_space<hbm>> -> memref<3328x16xf32, #tpu.memory_space<hbm>>
        %dma_wait3A_562 = arith.constant 0 : i32
        %dma_wait3A_563 = tpu.memref_slice %arg6[%add3A_555, %dma_wait3A_562] : memref<425984x16xf32, #tpu.memory_space<hbm>> -> memref<3328x16xf32, #tpu.memory_space<hbm>>
        tpu.wait_dma2 semaphore(%run_scoped3A : memref<!tpu.dma_semaphore, #tpu.memory_space<semaphore_mem>>) src(%arg9 : memref<3328x16xf32, #tpu.memory_space<vmem>>) dst(%dma_wait3A_563 : memref<3328x16xf32, #tpu.memory_space<hbm>>)
        tpu.yield
      }) : () -> ()
    }
    %scan3A_13 = arith.constant 4 : i32
    %mul3A_14 = arith.constant 512 : i32
    %mul3A_15 = arith.muli %add3A, %mul3A_14 : i32
    "tpu.region"() ({
      %run_scoped3A = tpu.sem_alloc : memref<!tpu.dma_semaphore, #tpu.memory_space<semaphore_mem>>
      %dma_start3A_84 = tpu.memref_slice %arg5[%mul3A_15] : memref<16384xi32, #tpu.memory_space<hbm>> -> memref<512xi32, #tpu.memory_space<hbm>>
      %dma_start3A_85 = tpu.memref_slice %arg5[%mul3A_15] : memref<16384xi32, #tpu.memory_space<hbm>> -> memref<512xi32, #tpu.memory_space<hbm>>
      tpu.enqueue_dma source(%dma_start3A_85 : memref<512xi32, #tpu.memory_space<hbm>>) target(%arg10 : memref<512xi32, #tpu.memory_space<vmem>>) target_semaphore(%run_scoped3A : memref<!tpu.dma_semaphore, #tpu.memory_space<semaphore_mem>>)
      %dma_wait3A_86 = tpu.memref_slice %arg5[%mul3A_15] : memref<16384xi32, #tpu.memory_space<hbm>> -> memref<512xi32, #tpu.memory_space<hbm>>
      %dma_wait3A_87 = tpu.memref_slice %arg5[%mul3A_15] : memref<16384xi32, #tpu.memory_space<hbm>> -> memref<512xi32, #tpu.memory_space<hbm>>
      tpu.wait_dma2 semaphore(%run_scoped3A : memref<!tpu.dma_semaphore, #tpu.memory_space<semaphore_mem>>) src(%dma_wait3A_87 : memref<512xi32, #tpu.memory_space<hbm>>) dst(%arg10 : memref<512xi32, #tpu.memory_space<vmem>>)
      tpu.yield
    }) : () -> ()
    %scan3A_16 = arith.constant 0 : i32
    %scan3A_17 = arith.constant 0 : i32
    %scan3A_18 = arith.constant 32 : i32
    %scan3A_19 = arith.addi %scan3A_17, %scan3A_18 : i32
    %scan3A_20 = arith.constant 1 : i32
    scf.for %scan3A_84 = %scan3A_17 to %scan3A_19 step %scan3A_20  : i32 {
      %mul3A_85 = arith.constant 16 : i32
      %mul3A_86 = arith.muli %scan3A_84, %mul3A_85 : i32
      %get3A = arith.index_cast %mul3A_86 : i32 to index
      %get3A_87 = tpu.vector_load %arg10[%get3A] {strides = array<i32>} : memref<512xi32, #tpu.memory_space<vmem>>, vector<16xi32>,
      %get3A_88 = vector.shape_cast %get3A_87 : vector<16xi32> to vector<16xi32>
      %max3A = arith.constant 0 : i32
      %max3A_89 = vector.broadcast %max3A : i32 to vector<16xi32>
      %max3A_90 = arith.maxsi %get3A_88, %max3A_89 : vector<16xi32>
      %min3A = arith.constant 4095 : i32
      %min3A_91 = vector.broadcast %min3A : i32 to vector<16xi32>
      %min3A_92 = arith.minsi %max3A_90, %min3A_91 : vector<16xi32>
      %mul3A_93 = arith.constant 16 : i32
      %mul3A_94 = arith.muli %scan3A_84, %mul3A_93 : i32
      %swap3A = arith.index_cast %mul3A_94 : i32 to index
      %swap3A_95 = tpu.vector_load %arg10[%swap3A] {strides = array<i32>} : memref<512xi32, #tpu.memory_space<vmem>>, vector<16xi32>,
      %swap3A_96 = vector.shape_cast %swap3A_95 : vector<16xi32> to vector<16xi32>
      %swap3A_97 = vector.shape_cast %min3A_92 : vector<16xi32> to vector<16xi32>
      tpu.vector_store %arg10[%swap3A], %swap3A_97 {strides = array<i32>} : memref<512xi32, #tpu.memory_space<vmem>>, vector<16xi32>,
    }
    %scan3A_21 = arith.constant 32 : i32
    %dma_start3A = arith.constant 0 : i32
    %dma_start3A_22 = arith.constant 0 : i32
    %dma_start3A_23 = tpu.memref_slice %arg11[%dma_start3A, %dma_start3A_22] : memref<512x32xf32, #tpu.memory_space<vmem>> -> memref<128x32xf32, #tpu.memory_space<vmem>>
    %dma_start3A_24 = arith.constant 0 : i32
    %dma_start3A_25 = tpu.memref_slice %arg10[%dma_start3A_24] : memref<512xi32, #tpu.memory_space<vmem>> -> memref<128xi32, #tpu.memory_space<vmem>>
    %dma_start3A_26 = arith.constant 0 : i32
    %dma_start3A_27 = arith.constant 0 : i32
    %dma_start3A_28 = tpu.memref_slice %arg4[%dma_start3A_26, %dma_start3A_27] : memref<4096x32xf32, #tpu.memory_space<hbm>> -> memref<4096x32xf32, #tpu.memory_space<hbm>>
    tpu.enqueue_indirect_dma source(%dma_start3A_28 : memref<4096x32xf32, #tpu.memory_space<hbm>>) target(%dma_start3A_23 : memref<128x32xf32, #tpu.memory_space<vmem>>) offsets(%dma_start3A_25 : memref<128xi32, #tpu.memory_space<vmem>>) semaphore(%arg12 : memref<!tpu.dma_semaphore, #tpu.memory_space<semaphore_mem>>)
    %dma_start3A_29 = arith.constant 128 : i32
    %dma_start3A_30 = arith.constant 0 : i32
    %dma_start3A_31 = tpu.memref_slice %arg11[%dma_start3A_29, %dma_start3A_30] : memref<512x32xf32, #tpu.memory_space<vmem>> -> memref<128x32xf32, #tpu.memory_space<vmem>>
    %dma_start3A_32 = arith.constant 128 : i32
    %dma_start3A_33 = tpu.memref_slice %arg10[%dma_start3A_32] : memref<512xi32, #tpu.memory_space<vmem>> -> memref<128xi32, #tpu.memory_space<vmem>>
    %dma_start3A_34 = arith.constant 0 : i32
    %dma_start3A_35 = arith.constant 0 : i32
    %dma_start3A_36 = tpu.memref_slice %arg4[%dma_start3A_34, %dma_start3A_35] : memref<4096x32xf32, #tpu.memory_space<hbm>> -> memref<4096x32xf32, #tpu.memory_space<hbm>>
    tpu.enqueue_indirect_dma source(%dma_start3A_36 : memref<4096x32xf32, #tpu.memory_space<hbm>>) target(%dma_start3A_31 : memref<128x32xf32, #tpu.memory_space<vmem>>) offsets(%dma_start3A_33 : memref<128xi32, #tpu.memory_space<vmem>>) semaphore(%arg12 : memref<!tpu.dma_semaphore, #tpu.memory_space<semaphore_mem>>)
    %dma_start3A_37 = arith.constant 256 : i32
    %dma_start3A_38 = arith.constant 0 : i32
    %dma_start3A_39 = tpu.memref_slice %arg11[%dma_start3A_37, %dma_start3A_38] : memref<512x32xf32, #tpu.memory_space<vmem>> -> memref<128x32xf32, #tpu.memory_space<vmem>>
    %dma_start3A_40 = arith.constant 256 : i32
    %dma_start3A_41 = tpu.memref_slice %arg10[%dma_start3A_40] : memref<512xi32, #tpu.memory_space<vmem>> -> memref<128xi32, #tpu.memory_space<vmem>>
    %dma_start3A_42 = arith.constant 0 : i32
    %dma_start3A_43 = arith.constant 0 : i32
    %dma_start3A_44 = tpu.memref_slice %arg4[%dma_start3A_42, %dma_start3A_43] : memref<4096x32xf32, #tpu.memory_space<hbm>> -> memref<4096x32xf32, #tpu.memory_space<hbm>>
    tpu.enqueue_indirect_dma source(%dma_start3A_44 : memref<4096x32xf32, #tpu.memory_space<hbm>>) target(%dma_start3A_39 : memref<128x32xf32, #tpu.memory_space<vmem>>) offsets(%dma_start3A_41 : memref<128xi32, #tpu.memory_space<vmem>>) semaphore(%arg12 : memref<!tpu.dma_semaphore, #tpu.memory_space<semaphore_mem>>)
    %dma_start3A_45 = arith.constant 384 : i32
    %dma_start3A_46 = arith.constant 0 : i32
    %dma_start3A_47 = tpu.memref_slice %arg11[%dma_start3A_45, %dma_start3A_46] : memref<512x32xf32, #tpu.memory_space<vmem>> -> memref<128x32xf32, #tpu.memory_space<vmem>>
    %dma_start3A_48 = arith.constant 384 : i32
    %dma_start3A_49 = tpu.memref_slice %arg10[%dma_start3A_48] : memref<512xi32, #tpu.memory_space<vmem>> -> memref<128xi32, #tpu.memory_space<vmem>>
    %dma_start3A_50 = arith.constant 0 : i32
    %dma_start3A_51 = arith.constant 0 : i32
    %dma_start3A_52 = tpu.memref_slice %arg4[%dma_start3A_50, %dma_start3A_51] : memref<4096x32xf32, #tpu.memory_space<hbm>> -> memref<4096x32xf32, #tpu.memory_space<hbm>>
    tpu.enqueue_indirect_dma source(%dma_start3A_52 : memref<4096x32xf32, #tpu.memory_space<hbm>>) target(%dma_start3A_47 : memref<128x32xf32, #tpu.memory_space<vmem>>) offsets(%dma_start3A_49 : memref<128xi32, #tpu.memory_space<vmem>>) semaphore(%arg12 : memref<!tpu.dma_semaphore, #tpu.memory_space<semaphore_mem>>)
    %dma_wait3A = arith.constant 0 : i32
    %dma_wait3A_53 = arith.constant 0 : i32
    %dma_wait3A_54 = tpu.memref_slice %arg11[%dma_wait3A, %dma_wait3A_53] : memref<512x32xf32, #tpu.memory_space<vmem>> -> memref<128x32xf32, #tpu.memory_space<vmem>>
    %dma_wait3A_55 = arith.constant 0 : i32
    %dma_wait3A_56 = tpu.memref_slice %arg10[%dma_wait3A_55] : memref<512xi32, #tpu.memory_space<vmem>> -> memref<128xi32, #tpu.memory_space<vmem>>
    %dma_wait3A_57 = arith.constant 0 : i32
    %dma_wait3A_58 = arith.constant 0 : i32
    %dma_wait3A_59 = tpu.memref_slice %arg4[%dma_wait3A_57, %dma_wait3A_58] : memref<4096x32xf32, #tpu.memory_space<hbm>> -> memref<4096x32xf32, #tpu.memory_space<hbm>>
    tpu.wait_indirect_dma semaphore(%arg12 : memref<!tpu.dma_semaphore, #tpu.memory_space<semaphore_mem>>) src(%dma_wait3A_59 : memref<4096x32xf32, #tpu.memory_space<hbm>>) dst(%dma_wait3A_54 : memref<128x32xf32, #tpu.memory_space<vmem>>)
    %dma_wait3A_60 = arith.constant 128 : i32
    %dma_wait3A_61 = arith.constant 0 : i32
    %dma_wait3A_62 = tpu.memref_slice %arg11[%dma_wait3A_60, %dma_wait3A_61] : memref<512x32xf32, #tpu.memory_space<vmem>> -> memref<128x32xf32, #tpu.memory_space<vmem>>
    %dma_wait3A_63 = arith.constant 128 : i32
    %dma_wait3A_64 = tpu.memref_slice %arg10[%dma_wait3A_63] : memref<512xi32, #tpu.memory_space<vmem>> -> memref<128xi32, #tpu.memory_space<vmem>>
    %dma_wait3A_65 = arith.constant 0 : i32
    %dma_wait3A_66 = arith.constant 0 : i32
    %dma_wait3A_67 = tpu.memref_slice %arg4[%dma_wait3A_65, %dma_wait3A_66] : memref<4096x32xf32, #tpu.memory_space<hbm>> -> memref<4096x32xf32, #tpu.memory_space<hbm>>
    tpu.wait_indirect_dma semaphore(%arg12 : memref<!tpu.dma_semaphore, #tpu.memory_space<semaphore_mem>>) src(%dma_wait3A_67 : memref<4096x32xf32, #tpu.memory_space<hbm>>) dst(%dma_wait3A_62 : memref<128x32xf32, #tpu.memory_space<vmem>>)
    %dma_wait3A_68 = arith.constant 256 : i32
    %dma_wait3A_69 = arith.constant 0 : i32
    %dma_wait3A_70 = tpu.memref_slice %arg11[%dma_wait3A_68, %dma_wait3A_69] : memref<512x32xf32, #tpu.memory_space<vmem>> -> memref<128x32xf32, #tpu.memory_space<vmem>>
    %dma_wait3A_71 = arith.constant 256 : i32
    %dma_wait3A_72 = tpu.memref_slice %arg10[%dma_wait3A_71] : memref<512xi32, #tpu.memory_space<vmem>> -> memref<128xi32, #tpu.memory_space<vmem>>
    %dma_wait3A_73 = arith.constant 0 : i32
    %dma_wait3A_74 = arith.constant 0 : i32
    %dma_wait3A_75 = tpu.memref_slice %arg4[%dma_wait3A_73, %dma_wait3A_74] : memref<4096x32xf32, #tpu.memory_space<hbm>> -> memref<4096x32xf32, #tpu.memory_space<hbm>>
    tpu.wait_indirect_dma semaphore(%arg12 : memref<!tpu.dma_semaphore, #tpu.memory_space<semaphore_mem>>) src(%dma_wait3A_75 : memref<4096x32xf32, #tpu.memory_space<hbm>>) dst(%dma_wait3A_70 : memref<128x32xf32, #tpu.memory_space<vmem>>)
    %dma_wait3A_76 = arith.constant 384 : i32
    %dma_wait3A_77 = arith.constant 0 : i32
    %dma_wait3A_78 = tpu.memref_slice %arg11[%dma_wait3A_76, %dma_wait3A_77] : memref<512x32xf32, #tpu.memory_space<vmem>> -> memref<128x32xf32, #tpu.memory_space<vmem>>
    %dma_wait3A_79 = arith.constant 384 : i32
    %dma_wait3A_80 = tpu.memref_slice %arg10[%dma_wait3A_79] : memref<512xi32, #tpu.memory_space<vmem>> -> memref<128xi32, #tpu.memory_space<vmem>>
    %dma_wait3A_81 = arith.constant 0 : i32
    %dma_wait3A_82 = arith.constant 0 : i32
    %dma_wait3A_83 = tpu.memref_slice %arg4[%dma_wait3A_81, %dma_wait3A_82] : memref<4096x32xf32, #tpu.memory_space<hbm>> -> memref<4096x32xf32, #tpu.memory_space<hbm>>
    tpu.wait_indirect_dma semaphore(%arg12 : memref<!tpu.dma_semaphore, #tpu.memory_space<semaphore_mem>>) src(%dma_wait3A_83 : memref<4096x32xf32, #tpu.memory_space<hbm>>) dst(%dma_wait3A_78 : memref<128x32xf32, #tpu.memory_space<vmem>>)
    "tpu.region"() ({
      %run_scoped3A = tpu.sem_alloc : memref<!tpu.dma_semaphore, #tpu.memory_space<semaphore_mem>>
      %dma_start3A_84 = arith.constant 0 : i32
      %dma_start3A_85 = tpu.memref_slice %arg7[%mul3A_15, %dma_start3A_84] : memref<16384x32xf32, #tpu.memory_space<hbm>> -> memref<512x32xf32, #tpu.memory_space<hbm>>
      %dma_start3A_86 = arith.constant 0 : i32
      %dma_start3A_87 = tpu.memref_slice %arg7[%mul3A_15, %dma_start3A_86] : memref<16384x32xf32, #tpu.memory_space<hbm>> -> memref<512x32xf32, #tpu.memory_space<hbm>>
      tpu.enqueue_dma source(%arg11 : memref<512x32xf32, #tpu.memory_space<vmem>>) target(%dma_start3A_87 : memref<512x32xf32, #tpu.memory_space<hbm>>) target_semaphore(%run_scoped3A : memref<!tpu.dma_semaphore, #tpu.memory_space<semaphore_mem>>)
      %dma_wait3A_88 = arith.constant 0 : i32
      %dma_wait3A_89 = tpu.memref_slice %arg7[%mul3A_15, %dma_wait3A_88] : memref<16384x32xf32, #tpu.memory_space<hbm>> -> memref<512x32xf32, #tpu.memory_space<hbm>>
      %dma_wait3A_90 = arith.constant 0 : i32
      %dma_wait3A_91 = tpu.memref_slice %arg7[%mul3A_15, %dma_wait3A_90] : memref<16384x32xf32, #tpu.memory_space<hbm>> -> memref<512x32xf32, #tpu.memory_space<hbm>>
      tpu.wait_dma2 semaphore(%run_scoped3A : memref<!tpu.dma_semaphore, #tpu.memory_space<semaphore_mem>>) src(%arg11 : memref<512x32xf32, #tpu.memory_space<vmem>>) dst(%dma_wait3A_91 : memref<512x32xf32, #tpu.memory_space<hbm>>)
      tpu.yield
    }) : () -> ()
    return
  }
}

module attributes {stable_mosaic.version = 14 : i64} {
  func.func @_tc_body(%arg0: i32, %arg1: memref<2048x200xf32, #tpu.memory_space<vmem>>, %arg2: memref<2048x64xf32, #tpu.memory_space<vmem>>, %arg3: memref<2048x416xf32, #tpu.memory_space<vmem>>, %arg4: memref<2048x32xf32, #tpu.memory_space<vmem>>, %arg5: memref<712x256xf32, #tpu.memory_space<vmem>>, %arg6: memref<1x256xf32, #tpu.memory_space<vmem>>, %arg7: memref<256x256xf32, #tpu.memory_space<vmem>>, %arg8: memref<1x256xf32, #tpu.memory_space<vmem>>, %arg9: memref<256x64xf32, #tpu.memory_space<vmem>>, %arg10: memref<1x64xf32, #tpu.memory_space<vmem>>, %arg11: memref<2048x64xf32, #tpu.memory_space<vmem>>) attributes {dimension_semantics = [#tpu.dimension_semantics<arbitrary>], iteration_bounds = array<i64: 8>, scalar_prefetch = 0 : i64, scratch_operands = 0 : i64, tpu.core_type = #tpu.core_type<tc>, window_params = [{transform_indices = @transform_0, window_bounds = array<i64: 2048, 200>}, {transform_indices = @transform_1, window_bounds = array<i64: 2048, 64>}, {transform_indices = @transform_2, window_bounds = array<i64: 2048, 416>}, {transform_indices = @transform_3, window_bounds = array<i64: 2048, 32>}, {pipeline_mode = #tpu.pipeline_mode<synchronous>, transform_indices = @transform_4, window_bounds = array<i64: 712, 256>}, {pipeline_mode = #tpu.pipeline_mode<synchronous>, transform_indices = @transform_5, window_bounds = array<i64: 1, 256>}, {pipeline_mode = #tpu.pipeline_mode<synchronous>, transform_indices = @transform_6, window_bounds = array<i64: 256, 256>}, {pipeline_mode = #tpu.pipeline_mode<synchronous>, transform_indices = @transform_7, window_bounds = array<i64: 1, 256>}, {pipeline_mode = #tpu.pipeline_mode<synchronous>, transform_indices = @transform_8, window_bounds = array<i64: 256, 64>}, {pipeline_mode = #tpu.pipeline_mode<synchronous>, transform_indices = @transform_9, window_bounds = array<i64: 1, 64>}, {transform_indices = @transform_10, window_bounds = array<i64: 2048, 64>}]} {
    %get3A = arith.constant 0 : index
    %get3A_0 = arith.constant 0 : index
    %get3A_1 = vector.load %arg1[%get3A, %get3A_0] : memref<2048x200xf32, #tpu.memory_space<vmem>>, vector<2048x200xf32>
    %get3A_2 = arith.constant 0 : index
    %get3A_3 = arith.constant 0 : index
    %get3A_4 = vector.load %arg2[%get3A_2, %get3A_3] : memref<2048x64xf32, #tpu.memory_space<vmem>>, vector<2048x64xf32>
    %get3A_5 = arith.constant 0 : index
    %get3A_6 = arith.constant 0 : index
    %get3A_7 = vector.load %arg3[%get3A_5, %get3A_6] : memref<2048x416xf32, #tpu.memory_space<vmem>>, vector<2048x416xf32>
    %get3A_8 = arith.constant 0 : index
    %get3A_9 = arith.constant 0 : index
    %get3A_10 = vector.load %arg4[%get3A_8, %get3A_9] : memref<2048x32xf32, #tpu.memory_space<vmem>>, vector<2048x32xf32>
    %concatenate3A = tpu.concatenate %get3A_1, %get3A_4, %get3A_7, %get3A_10 in 1 : vector<2048x200xf32>, vector<2048x64xf32>, vector<2048x416xf32>, vector<2048x32xf32> -> vector<2048x712xf32>
    %get3A_11 = arith.constant 0 : index
    %get3A_12 = arith.constant 0 : index
    %get3A_13 = vector.load %arg5[%get3A_11, %get3A_12] : memref<712x256xf32, #tpu.memory_space<vmem>>, vector<712x256xf32>
    %dot_general3A = arith.constant dense<0.000000e+00> : vector<2048x256xf32>
    %dot_general3A_14 = tpu.matmul %concatenate3A, %get3A_13, %dot_general3A {dimension_numbers = #tpu.dot_dimension_numbers<[1], [0], [0], [1], [0, 0, 1, 1], [], []>, transpose_lhs_hint = false} : vector<2048x712xf32>, vector<712x256xf32>, vector<2048x256xf32> -> vector<2048x256xf32>
    %get3A_15 = arith.constant 0 : index
    %get3A_16 = arith.constant 0 : index
    %get3A_17 = vector.load %arg6[%get3A_15, %get3A_16] : memref<1x256xf32, #tpu.memory_space<vmem>>, vector<1x256xf32>
    %add3A = vector.broadcast %get3A_17 : vector<1x256xf32> to vector<2048x256xf32>
    %add3A_18 = arith.addf %dot_general3A_14, %add3A : vector<2048x256xf32>
    %mul3A = arith.constant 5.000000e-01 : f32
    %mul3A_19 = vector.broadcast %mul3A : f32 to vector<2048x256xf32>
    %mul3A_20 = arith.mulf %mul3A_19, %add3A_18 : vector<2048x256xf32>
    %mul3A_21 = arith.constant 0.707106769 : f32
    %mul3A_22 = vector.broadcast %mul3A_21 : f32 to vector<2048x256xf32>
    %mul3A_23 = arith.mulf %add3A_18, %mul3A_22 : vector<2048x256xf32>
    %erf3A = math.erf %mul3A_23 : vector<2048x256xf32>
    %add3A_24 = arith.constant 1.000000e+00 : f32
    %add3A_25 = vector.broadcast %add3A_24 : f32 to vector<2048x256xf32>
    %add3A_26 = arith.addf %add3A_25, %erf3A : vector<2048x256xf32>
    %mul3A_27 = arith.mulf %mul3A_20, %add3A_26 : vector<2048x256xf32>
    %get3A_28 = arith.constant 0 : index
    %get3A_29 = arith.constant 0 : index
    %get3A_30 = vector.load %arg7[%get3A_28, %get3A_29] : memref<256x256xf32, #tpu.memory_space<vmem>>, vector<256x256xf32>
    %dot_general3A_31 = arith.constant dense<0.000000e+00> : vector<2048x256xf32>
    %dot_general3A_32 = tpu.matmul %mul3A_27, %get3A_30, %dot_general3A_31 {dimension_numbers = #tpu.dot_dimension_numbers<[1], [0], [0], [1], [0, 0, 1, 1], [], []>, transpose_lhs_hint = false} : vector<2048x256xf32>, vector<256x256xf32>, vector<2048x256xf32> -> vector<2048x256xf32>
    %get3A_33 = arith.constant 0 : index
    %get3A_34 = arith.constant 0 : index
    %get3A_35 = vector.load %arg8[%get3A_33, %get3A_34] : memref<1x256xf32, #tpu.memory_space<vmem>>, vector<1x256xf32>
    %add3A_36 = vector.broadcast %get3A_35 : vector<1x256xf32> to vector<2048x256xf32>
    %add3A_37 = arith.addf %dot_general3A_32, %add3A_36 : vector<2048x256xf32>
    %mul3A_38 = arith.constant 5.000000e-01 : f32
    %mul3A_39 = vector.broadcast %mul3A_38 : f32 to vector<2048x256xf32>
    %mul3A_40 = arith.mulf %mul3A_39, %add3A_37 : vector<2048x256xf32>
    %mul3A_41 = arith.constant 0.707106769 : f32
    %mul3A_42 = vector.broadcast %mul3A_41 : f32 to vector<2048x256xf32>
    %mul3A_43 = arith.mulf %add3A_37, %mul3A_42 : vector<2048x256xf32>
    %erf3A_44 = math.erf %mul3A_43 : vector<2048x256xf32>
    %add3A_45 = arith.constant 1.000000e+00 : f32
    %add3A_46 = vector.broadcast %add3A_45 : f32 to vector<2048x256xf32>
    %add3A_47 = arith.addf %add3A_46, %erf3A_44 : vector<2048x256xf32>
    %mul3A_48 = arith.mulf %mul3A_40, %add3A_47 : vector<2048x256xf32>
    %get3A_49 = arith.constant 0 : index
    %get3A_50 = arith.constant 0 : index
    %get3A_51 = vector.load %arg9[%get3A_49, %get3A_50] : memref<256x64xf32, #tpu.memory_space<vmem>>, vector<256x64xf32>
    %dot_general3A_52 = arith.constant dense<0.000000e+00> : vector<2048x64xf32>
    %dot_general3A_53 = tpu.matmul %mul3A_48, %get3A_51, %dot_general3A_52 {dimension_numbers = #tpu.dot_dimension_numbers<[1], [0], [0], [1], [0, 0, 1, 1], [], []>, transpose_lhs_hint = false} : vector<2048x256xf32>, vector<256x64xf32>, vector<2048x64xf32> -> vector<2048x64xf32>
    %get3A_54 = arith.constant 0 : index
    %get3A_55 = arith.constant 0 : index
    %get3A_56 = vector.load %arg10[%get3A_54, %get3A_55] : memref<1x64xf32, #tpu.memory_space<vmem>>, vector<1x64xf32>
    %add3A_57 = vector.broadcast %get3A_56 : vector<1x64xf32> to vector<2048x64xf32>
    %add3A_58 = arith.addf %dot_general3A_53, %add3A_57 : vector<2048x64xf32>
    %iota3A = tpu.iota {dimensions = array<i32: 0>} : vector<64x64xi32>
    %iota3A_59 = tpu.iota {dimensions = array<i32: 1>} : vector<64x64xi32>
    %le3A = arith.cmpi sle, %iota3A, %iota3A_59 : vector<64x64xi32>
    %jit3A = arith.constant 1.000000e+00 : f32
    %jit3A_60 = arith.constant 0.000000e+00 : f32
    %broadcast_in_dim3A = vector.broadcast %jit3A : f32 to vector<64x64xf32>
    %broadcast_in_dim3A_61 = vector.broadcast %jit3A_60 : f32 to vector<64x64xf32>
    %select_n3A = arith.select %le3A, %broadcast_in_dim3A, %broadcast_in_dim3A_61 : vector<64x64xi1>, vector<64x64xf32>
    %broadcast_in_dim3A_62 = arith.constant false
    %broadcast_in_dim3A_63 = vector.broadcast %broadcast_in_dim3A_62 : i1 to vector<2048x64xi1>
    %reduce_max3A = arith.constant dense<0xFF800000> : vector<2048xf32>
    %reduce_max3A_64 = vector.multi_reduction <maximumf>, %add3A_58, %reduce_max3A [1] : vector<2048x64xf32> to vector<2048xf32>
    %broadcast_in_dim3A_65 = vector.shape_cast %reduce_max3A_64 : vector<2048xf32> to vector<2048x1xf32>
    %eq3A = vector.broadcast %broadcast_in_dim3A_65 : vector<2048x1xf32> to vector<2048x64xf32>
    %eq3A_66 = arith.cmpf oeq, %add3A_58, %eq3A : vector<2048x64xf32>
    %convert_element_type3A = arith.extui %eq3A_66 : vector<2048x64xi1> to vector<2048x64xi32>
    %convert_element_type3A_67 = arith.sitofp %convert_element_type3A : vector<2048x64xi32> to vector<2048x64xf32>
    %dot_general3A_68 = arith.constant dense<0.000000e+00> : vector<2048x64xf32>
    %dot_general3A_69 = tpu.matmul %convert_element_type3A_67, %select_n3A, %dot_general3A_68 {dimension_numbers = #tpu.dot_dimension_numbers<[1], [0], [0], [1], [0, 0, 1, 1], [], []>, transpose_lhs_hint = false} : vector<2048x64xf32>, vector<64x64xf32>, vector<2048x64xf32> -> vector<2048x64xf32>
    %eq3A_70 = arith.constant 1.000000e+00 : f32
    %eq3A_71 = vector.broadcast %eq3A_70 : f32 to vector<2048x64xf32>
    %eq3A_72 = arith.cmpf oeq, %dot_general3A_69, %eq3A_71 : vector<2048x64xf32>
    %and3A = arith.andi %eq3A_66, %eq3A_72 : vector<2048x64xi1>
    %or3A = arith.ori %broadcast_in_dim3A_63, %and3A : vector<2048x64xi1>
    %jit3A_73 = arith.constant 0xFF800000 : f32
    %broadcast_in_dim3A_74 = vector.broadcast %jit3A_73 : f32 to vector<2048x64xf32>
    %select_n3A_75 = arith.select %and3A, %broadcast_in_dim3A_74, %add3A_58 : vector<2048x64xi1>, vector<2048x64xf32>
    %reduce_max3A_76 = arith.constant dense<0xFF800000> : vector<2048xf32>
    %reduce_max3A_77 = vector.multi_reduction <maximumf>, %select_n3A_75, %reduce_max3A_76 [1] : vector<2048x64xf32> to vector<2048xf32>
    %broadcast_in_dim3A_78 = vector.shape_cast %reduce_max3A_77 : vector<2048xf32> to vector<2048x1xf32>
    %eq3A_79 = vector.broadcast %broadcast_in_dim3A_78 : vector<2048x1xf32> to vector<2048x64xf32>
    %eq3A_80 = arith.cmpf oeq, %select_n3A_75, %eq3A_79 : vector<2048x64xf32>
    %convert_element_type3A_81 = arith.extui %eq3A_80 : vector<2048x64xi1> to vector<2048x64xi32>
    %convert_element_type3A_82 = arith.sitofp %convert_element_type3A_81 : vector<2048x64xi32> to vector<2048x64xf32>
    %dot_general3A_83 = arith.constant dense<0.000000e+00> : vector<2048x64xf32>
    %dot_general3A_84 = tpu.matmul %convert_element_type3A_82, %select_n3A, %dot_general3A_83 {dimension_numbers = #tpu.dot_dimension_numbers<[1], [0], [0], [1], [0, 0, 1, 1], [], []>, transpose_lhs_hint = false} : vector<2048x64xf32>, vector<64x64xf32>, vector<2048x64xf32> -> vector<2048x64xf32>
    %eq3A_85 = arith.constant 1.000000e+00 : f32
    %eq3A_86 = vector.broadcast %eq3A_85 : f32 to vector<2048x64xf32>
    %eq3A_87 = arith.cmpf oeq, %dot_general3A_84, %eq3A_86 : vector<2048x64xf32>
    %and3A_88 = arith.andi %eq3A_80, %eq3A_87 : vector<2048x64xi1>
    %or3A_89 = arith.ori %or3A, %and3A_88 : vector<2048x64xi1>
    %jit3A_90 = arith.constant 0xFF800000 : f32
    %broadcast_in_dim3A_91 = vector.broadcast %jit3A_90 : f32 to vector<2048x64xf32>
    %select_n3A_92 = arith.select %and3A_88, %broadcast_in_dim3A_91, %select_n3A_75 : vector<2048x64xi1>, vector<2048x64xf32>
    %reduce_max3A_93 = arith.constant dense<0xFF800000> : vector<2048xf32>
    %reduce_max3A_94 = vector.multi_reduction <maximumf>, %select_n3A_92, %reduce_max3A_93 [1] : vector<2048x64xf32> to vector<2048xf32>
    %broadcast_in_dim3A_95 = vector.shape_cast %reduce_max3A_94 : vector<2048xf32> to vector<2048x1xf32>
    %eq3A_96 = vector.broadcast %broadcast_in_dim3A_95 : vector<2048x1xf32> to vector<2048x64xf32>
    %eq3A_97 = arith.cmpf oeq, %select_n3A_92, %eq3A_96 : vector<2048x64xf32>
    %convert_element_type3A_98 = arith.extui %eq3A_97 : vector<2048x64xi1> to vector<2048x64xi32>
    %convert_element_type3A_99 = arith.sitofp %convert_element_type3A_98 : vector<2048x64xi32> to vector<2048x64xf32>
    %dot_general3A_100 = arith.constant dense<0.000000e+00> : vector<2048x64xf32>
    %dot_general3A_101 = tpu.matmul %convert_element_type3A_99, %select_n3A, %dot_general3A_100 {dimension_numbers = #tpu.dot_dimension_numbers<[1], [0], [0], [1], [0, 0, 1, 1], [], []>, transpose_lhs_hint = false} : vector<2048x64xf32>, vector<64x64xf32>, vector<2048x64xf32> -> vector<2048x64xf32>
    %eq3A_102 = arith.constant 1.000000e+00 : f32
    %eq3A_103 = vector.broadcast %eq3A_102 : f32 to vector<2048x64xf32>
    %eq3A_104 = arith.cmpf oeq, %dot_general3A_101, %eq3A_103 : vector<2048x64xf32>
    %and3A_105 = arith.andi %eq3A_97, %eq3A_104 : vector<2048x64xi1>
    %or3A_106 = arith.ori %or3A_89, %and3A_105 : vector<2048x64xi1>
    %jit3A_107 = arith.constant 0xFF800000 : f32
    %broadcast_in_dim3A_108 = vector.broadcast %jit3A_107 : f32 to vector<2048x64xf32>
    %select_n3A_109 = arith.select %and3A_105, %broadcast_in_dim3A_108, %select_n3A_92 : vector<2048x64xi1>, vector<2048x64xf32>
    %reduce_max3A_110 = arith.constant dense<0xFF800000> : vector<2048xf32>
    %reduce_max3A_111 = vector.multi_reduction <maximumf>, %select_n3A_109, %reduce_max3A_110 [1] : vector<2048x64xf32> to vector<2048xf32>
    %broadcast_in_dim3A_112 = vector.shape_cast %reduce_max3A_111 : vector<2048xf32> to vector<2048x1xf32>
    %eq3A_113 = vector.broadcast %broadcast_in_dim3A_112 : vector<2048x1xf32> to vector<2048x64xf32>
    %eq3A_114 = arith.cmpf oeq, %select_n3A_109, %eq3A_113 : vector<2048x64xf32>
    %convert_element_type3A_115 = arith.extui %eq3A_114 : vector<2048x64xi1> to vector<2048x64xi32>
    %convert_element_type3A_116 = arith.sitofp %convert_element_type3A_115 : vector<2048x64xi32> to vector<2048x64xf32>
    %dot_general3A_117 = arith.constant dense<0.000000e+00> : vector<2048x64xf32>
    %dot_general3A_118 = tpu.matmul %convert_element_type3A_116, %select_n3A, %dot_general3A_117 {dimension_numbers = #tpu.dot_dimension_numbers<[1], [0], [0], [1], [0, 0, 1, 1], [], []>, transpose_lhs_hint = false} : vector<2048x64xf32>, vector<64x64xf32>, vector<2048x64xf32> -> vector<2048x64xf32>
    %eq3A_119 = arith.constant 1.000000e+00 : f32
    %eq3A_120 = vector.broadcast %eq3A_119 : f32 to vector<2048x64xf32>
    %eq3A_121 = arith.cmpf oeq, %dot_general3A_118, %eq3A_120 : vector<2048x64xf32>
    %and3A_122 = arith.andi %eq3A_114, %eq3A_121 : vector<2048x64xi1>
    %or3A_123 = arith.ori %or3A_106, %and3A_122 : vector<2048x64xi1>
    %jit3A_124 = arith.constant 0xFF800000 : f32
    %broadcast_in_dim3A_125 = vector.broadcast %jit3A_124 : f32 to vector<2048x64xf32>
    %select_n3A_126 = arith.select %and3A_122, %broadcast_in_dim3A_125, %select_n3A_109 : vector<2048x64xi1>, vector<2048x64xf32>
    %reduce_max3A_127 = arith.constant dense<0xFF800000> : vector<2048xf32>
    %reduce_max3A_128 = vector.multi_reduction <maximumf>, %select_n3A_126, %reduce_max3A_127 [1] : vector<2048x64xf32> to vector<2048xf32>
    %broadcast_in_dim3A_129 = vector.shape_cast %reduce_max3A_128 : vector<2048xf32> to vector<2048x1xf32>
    %eq3A_130 = vector.broadcast %broadcast_in_dim3A_129 : vector<2048x1xf32> to vector<2048x64xf32>
    %eq3A_131 = arith.cmpf oeq, %select_n3A_126, %eq3A_130 : vector<2048x64xf32>
    %convert_element_type3A_132 = arith.extui %eq3A_131 : vector<2048x64xi1> to vector<2048x64xi32>
    %convert_element_type3A_133 = arith.sitofp %convert_element_type3A_132 : vector<2048x64xi32> to vector<2048x64xf32>
    %dot_general3A_134 = arith.constant dense<0.000000e+00> : vector<2048x64xf32>
    %dot_general3A_135 = tpu.matmul %convert_element_type3A_133, %select_n3A, %dot_general3A_134 {dimension_numbers = #tpu.dot_dimension_numbers<[1], [0], [0], [1], [0, 0, 1, 1], [], []>, transpose_lhs_hint = false} : vector<2048x64xf32>, vector<64x64xf32>, vector<2048x64xf32> -> vector<2048x64xf32>
    %eq3A_136 = arith.constant 1.000000e+00 : f32
    %eq3A_137 = vector.broadcast %eq3A_136 : f32 to vector<2048x64xf32>
    %eq3A_138 = arith.cmpf oeq, %dot_general3A_135, %eq3A_137 : vector<2048x64xf32>
    %and3A_139 = arith.andi %eq3A_131, %eq3A_138 : vector<2048x64xi1>
    %or3A_140 = arith.ori %or3A_123, %and3A_139 : vector<2048x64xi1>
    %jit3A_141 = arith.constant 0xFF800000 : f32
    %broadcast_in_dim3A_142 = vector.broadcast %jit3A_141 : f32 to vector<2048x64xf32>
    %select_n3A_143 = arith.select %and3A_139, %broadcast_in_dim3A_142, %select_n3A_126 : vector<2048x64xi1>, vector<2048x64xf32>
    %reduce_max3A_144 = arith.constant dense<0xFF800000> : vector<2048xf32>
    %reduce_max3A_145 = vector.multi_reduction <maximumf>, %select_n3A_143, %reduce_max3A_144 [1] : vector<2048x64xf32> to vector<2048xf32>
    %broadcast_in_dim3A_146 = vector.shape_cast %reduce_max3A_145 : vector<2048xf32> to vector<2048x1xf32>
    %eq3A_147 = vector.broadcast %broadcast_in_dim3A_146 : vector<2048x1xf32> to vector<2048x64xf32>
    %eq3A_148 = arith.cmpf oeq, %select_n3A_143, %eq3A_147 : vector<2048x64xf32>
    %convert_element_type3A_149 = arith.extui %eq3A_148 : vector<2048x64xi1> to vector<2048x64xi32>
    %convert_element_type3A_150 = arith.sitofp %convert_element_type3A_149 : vector<2048x64xi32> to vector<2048x64xf32>
    %dot_general3A_151 = arith.constant dense<0.000000e+00> : vector<2048x64xf32>
    %dot_general3A_152 = tpu.matmul %convert_element_type3A_150, %select_n3A, %dot_general3A_151 {dimension_numbers = #tpu.dot_dimension_numbers<[1], [0], [0], [1], [0, 0, 1, 1], [], []>, transpose_lhs_hint = false} : vector<2048x64xf32>, vector<64x64xf32>, vector<2048x64xf32> -> vector<2048x64xf32>
    %eq3A_153 = arith.constant 1.000000e+00 : f32
    %eq3A_154 = vector.broadcast %eq3A_153 : f32 to vector<2048x64xf32>
    %eq3A_155 = arith.cmpf oeq, %dot_general3A_152, %eq3A_154 : vector<2048x64xf32>
    %and3A_156 = arith.andi %eq3A_148, %eq3A_155 : vector<2048x64xi1>
    %or3A_157 = arith.ori %or3A_140, %and3A_156 : vector<2048x64xi1>
    %jit3A_158 = arith.constant 0xFF800000 : f32
    %broadcast_in_dim3A_159 = vector.broadcast %jit3A_158 : f32 to vector<2048x64xf32>
    %select_n3A_160 = arith.select %and3A_156, %broadcast_in_dim3A_159, %select_n3A_143 : vector<2048x64xi1>, vector<2048x64xf32>
    %reduce_max3A_161 = arith.constant dense<0xFF800000> : vector<2048xf32>
    %reduce_max3A_162 = vector.multi_reduction <maximumf>, %select_n3A_160, %reduce_max3A_161 [1] : vector<2048x64xf32> to vector<2048xf32>
    %broadcast_in_dim3A_163 = vector.shape_cast %reduce_max3A_162 : vector<2048xf32> to vector<2048x1xf32>
    %eq3A_164 = vector.broadcast %broadcast_in_dim3A_163 : vector<2048x1xf32> to vector<2048x64xf32>
    %eq3A_165 = arith.cmpf oeq, %select_n3A_160, %eq3A_164 : vector<2048x64xf32>
    %convert_element_type3A_166 = arith.extui %eq3A_165 : vector<2048x64xi1> to vector<2048x64xi32>
    %convert_element_type3A_167 = arith.sitofp %convert_element_type3A_166 : vector<2048x64xi32> to vector<2048x64xf32>
    %dot_general3A_168 = arith.constant dense<0.000000e+00> : vector<2048x64xf32>
    %dot_general3A_169 = tpu.matmul %convert_element_type3A_167, %select_n3A, %dot_general3A_168 {dimension_numbers = #tpu.dot_dimension_numbers<[1], [0], [0], [1], [0, 0, 1, 1], [], []>, transpose_lhs_hint = false} : vector<2048x64xf32>, vector<64x64xf32>, vector<2048x64xf32> -> vector<2048x64xf32>
    %eq3A_170 = arith.constant 1.000000e+00 : f32
    %eq3A_171 = vector.broadcast %eq3A_170 : f32 to vector<2048x64xf32>
    %eq3A_172 = arith.cmpf oeq, %dot_general3A_169, %eq3A_171 : vector<2048x64xf32>
    %and3A_173 = arith.andi %eq3A_165, %eq3A_172 : vector<2048x64xi1>
    %or3A_174 = arith.ori %or3A_157, %and3A_173 : vector<2048x64xi1>
    %jit3A_175 = arith.constant 0xFF800000 : f32
    %broadcast_in_dim3A_176 = vector.broadcast %jit3A_175 : f32 to vector<2048x64xf32>
    %select_n3A_177 = arith.select %and3A_173, %broadcast_in_dim3A_176, %select_n3A_160 : vector<2048x64xi1>, vector<2048x64xf32>
    %reduce_max3A_178 = arith.constant dense<0xFF800000> : vector<2048xf32>
    %reduce_max3A_179 = vector.multi_reduction <maximumf>, %select_n3A_177, %reduce_max3A_178 [1] : vector<2048x64xf32> to vector<2048xf32>
    %broadcast_in_dim3A_180 = vector.shape_cast %reduce_max3A_179 : vector<2048xf32> to vector<2048x1xf32>
    %eq3A_181 = vector.broadcast %broadcast_in_dim3A_180 : vector<2048x1xf32> to vector<2048x64xf32>
    %eq3A_182 = arith.cmpf oeq, %select_n3A_177, %eq3A_181 : vector<2048x64xf32>
    %convert_element_type3A_183 = arith.extui %eq3A_182 : vector<2048x64xi1> to vector<2048x64xi32>
    %convert_element_type3A_184 = arith.sitofp %convert_element_type3A_183 : vector<2048x64xi32> to vector<2048x64xf32>
    %dot_general3A_185 = arith.constant dense<0.000000e+00> : vector<2048x64xf32>
    %dot_general3A_186 = tpu.matmul %convert_element_type3A_184, %select_n3A, %dot_general3A_185 {dimension_numbers = #tpu.dot_dimension_numbers<[1], [0], [0], [1], [0, 0, 1, 1], [], []>, transpose_lhs_hint = false} : vector<2048x64xf32>, vector<64x64xf32>, vector<2048x64xf32> -> vector<2048x64xf32>
    %eq3A_187 = arith.constant 1.000000e+00 : f32
    %eq3A_188 = vector.broadcast %eq3A_187 : f32 to vector<2048x64xf32>
    %eq3A_189 = arith.cmpf oeq, %dot_general3A_186, %eq3A_188 : vector<2048x64xf32>
    %and3A_190 = arith.andi %eq3A_182, %eq3A_189 : vector<2048x64xi1>
    %or3A_191 = arith.ori %or3A_174, %and3A_190 : vector<2048x64xi1>
    %sub3A = vector.broadcast %broadcast_in_dim3A_65 : vector<2048x1xf32> to vector<2048x64xf32>
    %sub3A_192 = arith.subf %add3A_58, %sub3A : vector<2048x64xf32>
    %exp3A = math.exp %sub3A_192 : vector<2048x64xf32>
    %jit3A_193 = arith.constant 0.000000e+00 : f32
    %broadcast_in_dim3A_194 = vector.broadcast %jit3A_193 : f32 to vector<2048x64xf32>
    %select_n3A_195 = arith.select %or3A_191, %exp3A, %broadcast_in_dim3A_194 : vector<2048x64xi1>, vector<2048x64xf32>
    %reduce_sum3A = arith.constant dense<0.000000e+00> : vector<2048xf32>
    %reduce_sum3A_196 = vector.multi_reduction <add>, %select_n3A_195, %reduce_sum3A [1] : vector<2048x64xf32> to vector<2048xf32>
    %broadcast_in_dim3A_197 = vector.shape_cast %reduce_sum3A_196 : vector<2048xf32> to vector<2048x1xf32>
    %div3A = vector.broadcast %broadcast_in_dim3A_197 : vector<2048x1xf32> to vector<2048x64xf32>
    %div3A_198 = arith.divf %select_n3A_195, %div3A : vector<2048x64xf32>
    %swap3A = arith.constant 0 : index
    %swap3A_199 = arith.constant 0 : index
    %swap3A_200 = vector.load %arg11[%swap3A, %swap3A_199] : memref<2048x64xf32, #tpu.memory_space<vmem>>, vector<2048x64xf32>
    tpu.vector_store %arg11[%swap3A, %swap3A_199], %div3A_198 {strides = array<i32>} : memref<2048x64xf32, #tpu.memory_space<vmem>>, vector<2048x64xf32>,
    return
  }
  func.func @transform_0(%arg0: i32) -> (i32, i32) {
    %c0_i32 = arith.constant 0 : i32
    %c0_i32_0 = arith.constant 0 : i32
    return %arg0, %c0_i32 : i32, i32
  }
  func.func @transform_1(%arg0: i32) -> (i32, i32) {
    %c0_i32 = arith.constant 0 : i32
    %c0_i32_0 = arith.constant 0 : i32
    return %arg0, %c0_i32 : i32, i32
  }
  func.func @transform_2(%arg0: i32) -> (i32, i32) {
    %c0_i32 = arith.constant 0 : i32
    %c0_i32_0 = arith.constant 0 : i32
    return %arg0, %c0_i32 : i32, i32
  }
  func.func @transform_3(%arg0: i32) -> (i32, i32) {
    %c0_i32 = arith.constant 0 : i32
    %c0_i32_0 = arith.constant 0 : i32
    return %arg0, %c0_i32 : i32, i32
  }
  func.func @transform_4(%arg0: i32) -> (i32, i32) {
    %c0_i32 = arith.constant 0 : i32
    %c0_i32_0 = arith.constant 0 : i32
    %c0_i32_1 = arith.constant 0 : i32
    return %c0_i32, %c0_i32_0 : i32, i32
  }
  func.func @transform_5(%arg0: i32) -> (i32, i32) {
    %c0_i32 = arith.constant 0 : i32
    %c0_i32_0 = arith.constant 0 : i32
    %c0_i32_1 = arith.constant 0 : i32
    return %c0_i32, %c0_i32_0 : i32, i32
  }
  func.func @transform_6(%arg0: i32) -> (i32, i32) {
    %c0_i32 = arith.constant 0 : i32
    %c0_i32_0 = arith.constant 0 : i32
    %c0_i32_1 = arith.constant 0 : i32
    return %c0_i32, %c0_i32_0 : i32, i32
  }
  func.func @transform_7(%arg0: i32) -> (i32, i32) {
    %c0_i32 = arith.constant 0 : i32
    %c0_i32_0 = arith.constant 0 : i32
    %c0_i32_1 = arith.constant 0 : i32
    return %c0_i32, %c0_i32_0 : i32, i32
  }
  func.func @transform_8(%arg0: i32) -> (i32, i32) {
    %c0_i32 = arith.constant 0 : i32
    %c0_i32_0 = arith.constant 0 : i32
    %c0_i32_1 = arith.constant 0 : i32
    return %c0_i32, %c0_i32_0 : i32, i32
  }
  func.func @transform_9(%arg0: i32) -> (i32, i32) {
    %c0_i32 = arith.constant 0 : i32
    %c0_i32_0 = arith.constant 0 : i32
    %c0_i32_1 = arith.constant 0 : i32
    return %c0_i32, %c0_i32_0 : i32, i32
  }
  func.func @transform_10(%arg0: i32) -> (i32, i32) {
    %c0_i32 = arith.constant 0 : i32
    %c0_i32_0 = arith.constant 0 : i32
    return %arg0, %c0_i32 : i32, i32
  }
}

</mosaic_0001>

<sc_bundles>
// kernel: kernel.4.cloned.1.call-start
scs
__scs_entry_jumppad:
0x0: {  	(pc) =	sbr.rel $0x88, $3  }
0x1: {  	(tag) =	ssettag $0x0;
	lr =	simm.s32 $0x1  }
0x2: {  	[smem:$0x3F95] =	sst lr;
	_ =	strace $0xD0000000  }
0x3: {  	_ = 	snop  }
0x4: {  	_ = 	snop  }
0x5: {  	_ = 	snop  }
0x6: {  	_ = 	snop  }
0x7: {  	_ = 	snop  }
__scs_overlays_trampoline_lowered:
0x8: {  	[smem:$0x3FA4] =	sst s0  }
0x9: {  	[smem:$0x3FA5] =	sst s1  }
0xa: {  	[smem:$0x3FA6] =	sst s2  }
0xb: {  	[smem:$0x3FA7] =	sst s3  }
0xc: {  	[smem:$0x3FA8] =	sst s4  }
0xd: {  	[smem:$0x3FA9] =	sst s5  }
0xe: {  	[smem:$0x3FAA] =	sst s6  }
0xf: {  	[smem:$0x3FAB] =	sst s7  }
0x10: {  	[smem:$0x3FAC] =	sst s8  }
0x11: {  	[smem:$0x3FAD] =	sst s9;
	s0 =	simm.s32 @!p0 $0x0  }
0x12: {  	s1 =	sld [smem:$0x3F93];
	s0 =	simm.s32 @p0 $0x1  }
0x13: {  	[smem:$0x3FAE] =	sst s0;
	s0 =	simm.s32 @!p1 $0x0  }
0x14: {  	s2 =	sld [smem:$0x3F92];
	s0 =	simm.s32 @p1 $0x1  }
0x15: {  	[smem:$0x3FAF] =	sst s0;
	s0 =	simm.s32 @!p2 $0x0  }
0x16: {  	s3 =	sld [smem:$0x3FDB];
	s0 =	simm.s32 @p2 $0x1  }
0x17: {  	s4 =	simm.s32 $0x1BF5;
	[smem:$0x3FB1] =	sst s0  }
0x18: {  	s0 =	sld [smem:$0x3F94];
	_ =	swait.ge [sflag:s4], $0x0  }
0x19: {  	s7 =	sld [smem:$0x3F95]  }
0x1a: {  	s8 =	sadd.s32 $0xFFFFE003, lr  }
0x1b: {  	s9 =	sadd.s32 $0xFFFFFEF7, lr;
	s5 =	simm.s32 $0xFFFFFFFF;
	p2 =	slt.u32 s8, $0xFFFFF086  }
0x1c: {  	p1 =	slt.u32 s9, $0xF7A;
	s5 =	simm.s32 @!p2 $0x0  }
0x1d: {  	s5 =	simm.s32 @p1 $0x1;
	p0 =	seq.s32 s7, s2  }
0x1e: {  	s7 =	smul.u32 @!p0 $0xF7A, s2;
	p2 =	seq.s32 @!p0 s5, $0x0  }
0x1f: {  	s9 =	smul.u32 $0xF7A, s1;
	s8 =	simm.s32 @!p0 $0x1BF5;
	p2 =	por !p2, p0  }
0x20: {  	[sflag:s8] =	ssyncset.s32 @!p0 $0xFFFFF086;
	s6 =	sadd.s32 @!p0 s3, s7;
	s7 =	simm.s32 @!p0 $0x108  }
0x21: {  	s3 =	sadd.s32 s3, s9;
	s6 =	sadd.s32 @!p0 $0x88, s6;
	s7 =	simm.s32 @p2 $0x1082  }
0x22: {  	[simem:s7], [sflag:s8] =	dma.local @!p0 [hbm:s6], $0xF7A  }
0x23: {  	s9 =	sor.u32 $0xD0000000, s2;
	s6 =	simm.s32 $0x108;
	_ =	swait.ge @!p0 [sflag:s8], $0x0  }
0x24: {  	s3 =	sadd.s32 $0x88, s3;
	s6 =	simm.s32 @!p1 $0x1082;
	[sflag:s4] =	ssyncset.s32 $0xFFFFF086  }
0x25: {  	[simem:s6], [sflag:s4] =	dma.local [hbm:s3], $0xF7A  }
0x26: {  	[smem:$0x3F95] =	sst s1;
	(tag) =	ssettag s2;
	_ =	strace s9  }
0x27: {  	s1 =	sld [smem:$0x3FA5]  }
0x28: {  	s2 =	sld [smem:$0x3FA6]  }
0x29: {  	s4 =	sld [smem:$0x3FA8]  }
0x2a: {  	p0 =	seq.s32 s5, $0x0;
	s5 =	sld [smem:$0x3FA9]  }
0x2b: {  	s6 =	sld [smem:$0x3FAA]  }
0x2c: {  	s7 =	sld [smem:$0x3FAB]  }
0x2d: {  	s3 =	simm.s32 $0x108;
	s8 =	sld [smem:$0x3FAC]  }
0x2e: {  	s3 =	simm.s32 @!p0 $0x1082;
	s9 =	sld [smem:$0x3FAD]  }
0x2f: {  	lr =	sadd.s32 s0, s3;
	s0 =	sld [smem:$0x3FA4]  }
0x30: {  	s3 =	sld [smem:$0x3FA7]  }
0x31: {  	[smem:$0x3FB0] =	sst s10  }
0x32: {  	s10 =	sld [smem:$0x3FAE];
	_ =	sdelay $0x3  }
0x33: {  	p0 =	seq.s32 s10, $0x1;
	s10 =	sld [smem:$0x3FB0];
	_ =	sdelay $0x3  }
0x34: {  	[smem:$0x3FB0] =	sst s10  }
0x35: {  	s10 =	sld [smem:$0x3FAF];
	_ =	sdelay $0x3  }
0x36: {  	p1 =	seq.s32 s10, $0x1;
	s10 =	sld [smem:$0x3FB0];
	_ =	sdelay $0x3  }
0x37: {  	[smem:$0x3FB0] =	sst s10  }
0x38: {  	s10 =	sld [smem:$0x3FB1]  }
0x39: {  	_ = 	snop;
	(pc) =	sbr.ind lr, $3  }
0x3a: {  	_ = 	snop  }
0x3b: {  	_ = 	snop  }
0x3c: {  	p2 =	seq.s32 s10, $0x1;
	s10 =	sld [smem:$0x3FB0]  }
0x3d: {  	_ =	shalt  }
0x3e: {  	_ =	shalt  }
0x3f: {  	_ =	shalt  }
0x40: {  	_ =	shalt  }
0x41: {  	_ =	shalt  }
0x42: {  	_ =	shalt  }
0x43: {  	_ =	shalt  }
0x44: {  	_ =	shalt  }
0x45: {  	_ =	shalt  }
0x46: {  	_ =	shalt  }
0x47: {  	_ =	shalt  }
0x48: {  	_ =	shalt  }
0x49: {  	_ =	shalt  }
0x4a: {  	_ =	shalt  }
0x4b: {  	_ =	shalt  }
0x4c: {  	_ =	shalt  }
0x4d: {  	_ =	shalt  }
0x4e: {  	_ =	shalt  }
0x4f: {  	_ =	shalt  }
0x50: {  	_ =	shalt  }
0x51: {  	_ =	shalt  }
0x52: {  	_ =	shalt  }
0x53: {  	_ =	shalt  }
0x54: {  	_ =	shalt  }
0x55: {  	_ =	shalt  }
0x56: {  	_ =	shalt  }
0x57: {  	_ =	shalt  }
0x58: {  	_ =	shalt  }
0x59: {  	_ =	shalt  }
0x5a: {  	_ =	shalt  }
0x5b: {  	_ =	shalt  }
0x5c: {  	_ =	shalt  }
0x5d: {  	_ =	shalt  }
0x5e: {  	_ =	shalt  }
0x5f: {  	_ =	shalt  }
0x60: {  	_ =	shalt  }
0x61: {  	_ =	shalt  }
0x62: {  	_ =	shalt  }
0x63: {  	_ =	shalt  }
0x64: {  	_ =	shalt  }
0x65: {  	_ =	shalt  }
0x66: {  	_ =	shalt  }
0x67: {  	_ =	shalt  }
0x68: {  	_ =	shalt  }
0x69: {  	_ =	shalt  }
0x6a: {  	_ =	shalt  }
0x6b: {  	_ =	shalt  }
0x6c: {  	_ =	shalt  }
0x6d: {  	_ =	shalt  }
0x6e: {  	_ =	shalt  }
0x6f: {  	_ =	shalt  }
0x70: {  	_ =	shalt  }
0x71: {  	_ =	shalt  }
0x72: {  	_ =	shalt  }
0x73: {  	_ =	shalt  }
0x74: {  	_ =	shalt  }
0x75: {  	_ =	shalt  }
0x76: {  	_ =	shalt  }
0x77: {  	_ =	shalt  }
0x78: {  	_ =	shalt  }
0x79: {  	_ =	shalt  }
0x7a: {  	_ =	shalt  }
0x7b: {  	_ =	shalt  }
0x7c: {  	_ =	shalt  }
0x7d: {  	_ =	shalt  }
0x7e: {  	_ =	shalt  }
0x7f: {  	_ =	shalt  }
0x80: {  	_ =	shalt  }
0x81: {  	_ =	shalt  }
0x82: {  	_ =	shalt  }
0x83: {  	_ =	shalt  }
0x84: {  	_ =	shalt  }
0x85: {  	_ =	shalt  }
0x86: {  	_ =	shalt  }
0x87: {  	_ =	shalt  }
.Lfunc_end0:
.L_simem_size_0:
called_computation_lowered:
.L_overlay_start_0:
0x88: {  	s2 =	sld [smem:$0x3FD9]  }
0x89: {  	s3 =	sld [smem:$0x3FFE];
	_ =	sdelay $0x1  }
0x8a: {  	s1 =	srdreg.scid  }
0x8b: {  	s0 =	sand.u32 $0x1, s1  }
0x8c: {  	s17 =	sshll.u32 s0, $0xA;
	s2 =	sadd.s32 s3, s2  }
0x8d: {  	s2 =	sadd.s32 s2, s17  }
0x8e: {  	[smem:$0x3FBC] =	sst s2  }
0x8f: {  	_ = 	snop  }
0x90: {  	s2 =	sld [smem:$0x3FC6]  }
0x91: {  	s18 =	sld [smem:$0x3FD0];
	(tm) =	ssettm $0x1  }
0x92: {  	s4 =	sld [smem:$0x3FFB];
	_ =	sdelay $0x3  }
0x93: {  	_ =	strace s4  }
0x94: {  	s4 =	sld [smem:$0x3FFC];
	_ =	sdelay $0x3  }
0x95: {  	_ =	strace s4  }
0x96: {  	s4 =	sld [smem:$0x3FFD];
	_ =	sdelay $0x3  }
0x97: {  	_ =	strace s4  }
0x98: {  	_ =	strace $0x8FFFFFFF  }
0x99: {  	s19 =	sld [smem:$0x3FDB];
	_ =	sdelay $0x1  }
0x9a: {  	s5 =	simm.s32 $_scs_section_size  }
0x9b: {  	s6 =	simm.s32 $_size__tile_overlayer_lowered;
	s7 =	simm.s32 $_tile_overlayer_lowered  }
0x9c: {  	s22 =	simm.s32 $0x1BFF;
	s21 =	sshll.u32 s7, $0x1;
	s4 =	sadd.s32 s5, s19  }
0x9d: {  	s8 =	simm.s32 $0x0;
	s20 =	sshll.u32 s6, $0x1;
	s6 =	sadd.s32 s21, s4  }
0x9e: {  	[timem:s8], [sflag:s22] =	dma.local [hbm:s6], s20  }
0x9f: {  	_ =	swait.ge [sflag:s22], s20  }
0xa0: {  	s5 =	ssub.s32 $0x0, s20;
	[sflag:s22] =	ssyncset.done $0x0  }
0xa1: {  	[sflag:s22] =	ssyncadd.s32 s5;
	_ =	sdelay $0x1  }
0xa2: {  	s23 =	simm.s32 $0x1B8B  }
0xa3: {  	_ =	swait.ge [sflag:s23], $0x1  }
0xa4: {  	[sflag:s23] =	ssyncset.done $0x0  }
0xa5: {  	s25 =	simm.s32 $0x1B8E;
	s24 =	sld [smem:$0x3FFE];
	[sflag:s23] =	ssyncadd.s32 $0xFFFFFFFF  }
0xa6: {  	s26 =	simm.s32 $execute0_lowered;
	[smem:$0x3FD2] =	sst s25  }
0xa7: {  	s6 =	sshll.u32 s26, $0x1;
	_ =	strace $0x80000046;
	[dreg:$0x1] =	wrdreg $0xFFFFFFFF  }
0xa8: {  	s28 =	simm.s32 $_size_execute0_lowered;
	s4 =	sadd.s32 s4, s6;
	[dreg:$0x0] =	wrdreg $0x0  }
0xa9: {  	s6 =	sshll.u32 s28, $0x1;
	[dreg:$0x2] =	wrdreg s4  }
0xaa: {  	[dreg:$0x3] =	wrdreg s6  }
0xab: {  	[dreg:$0x4] =	wrdreg $0xC0  }
0xac: {  	_ =	task [dreg:s8], $0x5FFFF  }
0xad: {  	[dreg:$0x1] =	wrdreg $0xFFFFFFFF  }
0xae: {  	[dreg:$0x0] =	wrdreg $0x60  }
0xaf: {  	[dreg:$0x2] =	wrdreg s24  }
0xb0: {  	[dreg:$0x3] =	wrdreg s2  }
0xb1: {  	[dreg:$0x4] =	wrdreg s18  }
0xb2: {  	[dreg:$0x5] =	wrdreg $0x9  }
0xb3: {  	_ =	task.clear_ibuf [dreg:s8], $0x6FFFF;
	_ =	strace $0x90000046  }
0xb4: {  	s29 =	simm.s32 $0x9;
	_ =	strace $0x80000048  }
0xb5: {  	_ =	swait.ge [sflag:s29], $0x1  }
0xb6: {  	[sflag:s29] =	ssyncadd.s32 $0xFFFFFFFF  }
0xb7: {  	_ =	strace $0x90000048  }
0xb8: {  	_ =	sfence  }
0xb9: {  	s30 =	sld [smem:$0x0];
	_ =	sdelay $0x2  }
0xba: {  	s31 =	sshll.u32 s1, $0xD;
	s1 =	sshrl.u32 s1, $0x2  }
0xbb: {  	s3 =	sand.u32 $0x4000, s31;
	s1 =	sadd.s32 s1, s30  }
0xbc: {  	s0 =	sor.u32 s3, s0;
	s1 =	sshll.u32 s1, $0x11  }
0xbd: {  	s0 =	sor.u32 s1, s0  }
0xbe: {  	s0 =	sadd.s32 $0x8F2B, s0  }
0xbf: {  	[sflag:s0] =	ssyncadd.remote.s32 $0x1  }
0xc0: {  	_ =	sfence.sel $0xFFFF  }
0xc1: {  	[dreg:$0x0] =	wrdreg $0xFFFFFFFF;
	(pc) =	sbr.abs _section_cstart, $3  }
0xc2: {  	[dreg:$0x1] =	wrdreg $0xFFFFFFFF  }
0xc3: {  	_ =	task.clear_ibuf [dreg:s8], $0x2FFFF;
	_ =	strace $0x9FFFFFFF  }
0xc4: {  	(tm) =	ssettm $0x7FFFFFFF  }
0xc5: {  	_ =	shalt  }
tec
execute0_lowered:
.L_overlay_start_1:
0x0: {  	(tag) =	ssettag $0x1  }
0x1: {  	s5 =	rddreg [dreg:$0x0]  }
0x2: {  	s6 =	rddreg [dreg:$0x1]  }
0x3: {  	s7 =	rddreg [dreg:$0x2];
	s2 =	simm.s32 $0x0  }
0x4: {  	s21 =	simm.s32 $0x3C00;
	[smem:$0x7FF] =	sst s2  }
0x5: {  	s10 =	simm.s32 $0x4400;
	_ =	strace $0x80000047;
	[dreg:$0x4] =	wrdreg s21  }
0x6: {  	s22 =	simm.s32 $0x4C00;
	[dreg:$0x5] =	wrdreg s10  }
0x7: {  	s23 =	simm.s32 $0x5400;
	[dreg:$0x6] =	wrdreg s22  }
0x8: {  	s24 =	simm.s32 $0x5C00;
	[dreg:$0x7] =	wrdreg s23  }
0x9: {  	s12 =	simm.s32 $0x6400;
	[dreg:$0x8] =	wrdreg s24  }
0xa: {  	s26 =	simm.s32 $0x6C00;
	[dreg:$0x9] =	wrdreg s12  }
0xb: {  	s28 =	simm.s32 $0x7400;
	[dreg:$0xa] =	wrdreg s26  }
0xc: {  	s3 =	srdreg.scid;
	s30 =	simm.s32 $0x7C00;
	[dreg:$0xb] =	wrdreg s28  }
0xd: {  	s0 =	stileid.u32;
	s31 =	simm.s32 $0x8400;
	[dreg:$0xc] =	wrdreg s30  }
0xe: {  	s1 =	simm.s32 $0x8C00;
	s14 =	simm.s32 $0x9400;
	[dreg:$0xd] =	wrdreg s31  }
0xf: {  	s16 =	simm.s32 $0x9C00;
	s17 =	simm.s32 $0xA400;
	[dreg:$0xe] =	wrdreg s1  }
0x10: {  	s18 =	simm.s32 $0xAC00;
	s19 =	simm.s32 $0xB400;
	[dreg:$0xf] =	wrdreg s14  }
0x11: {  	s9 =	sand.u32 $0x1, s3;
	s20 =	sshll.u32 s0, $0x1;
	[dreg:$0x10] =	wrdreg s16  }
0x12: {  	s3 =	sadd.s32 $0xD02C00, s5;
	s25 =	smul.u32 $0xD000, s0;
	[dreg:$0x11] =	wrdreg s17  }
0x13: {  	s8 =	sor.u32 s9, s20;
	s29 =	ssub.s32 $0x2, s9;
	[dreg:$0x12] =	wrdreg s18  }
0x14: {  	[dreg:$0x13] =	wrdreg s19;
	s20 =	simm.s32 $0xBC00;
	s21 =	smul.u32 $0x6800, s0  }
0x15: {  	s22 =	simm.s32 $0xC400;
	s23 =	smul.u32 $0x3400, s9;
	s24 =	simm.s32 $0xCC00  }
0x16: {  	s14 =	smul.u32 $0x6800, s9;
	s26 =	simm.s32 $0xDC00;
	s28 =	simm.s32 $0xE400  }
0x17: {  	s30 =	simm.s32 $0xF400;
	s31 =	simm.s32 $0xFC00;
	[dreg:$0x14] =	wrdreg s20  }
0x18: {  	s16 =	simm.s32 $0x10600;
	s17 =	simm.s32 $0x10480;
	[dreg:$0x15] =	wrdreg s22  }
0x19: {  	s18 =	simm.s32 $0x11600;
	s19 =	simm.s32 $0x10500;
	[dreg:$0x16] =	wrdreg s24  }
0x1a: {  	s4 =	smul.u32 $0x3400, s8;
	s10 =	sadd.s32 s25, s5;
	[dreg:$0x18] =	wrdreg s26  }
0x1b: {  	s13 =	sshrl.u32 s29, $0x1;
	s15 =	sshll.u32 s8, $0x6;
	[dreg:$0x19] =	wrdreg s28  }
0x1c: {  	s8 =	sshll.u32 s8, $0xB;
	s25 =	simm.s32 $0xD400;
	[dreg:$0x1b] =	wrdreg s30  }
0x1d: {  	[dreg:$0x1c] =	wrdreg s31;
	s20 =	simm.s32 $0x12600;
	s22 =	simm.s32 $0x13600  }
0x1e: {  	s12 =	ssub.s32 s29, s13;
	s6 =	sadd.s32 s6, s15;
	s7 =	sadd.s32 s7, s8  }
0x1f: {  	s9 =	sadd.s32 s23, s21;
	[dreg:$0x17] =	wrdreg s25;
	s10 =	sadd.s32 s14, s10  }
0x20: {  	s29 =	simm.s32 $0xEC00;
	s13 =	simm.s32 $0x3400;
	s14 =	simm.s32 $0x1  }
0x21: {  	s15 =	simm.s32 $0x10400;
	s21 =	simm.s32 $0x10580;
	s23 =	simm.s32 $0x0  }
0x22: {  	s4 =	sshrl.u32 s4, $0x3;
	s8 =	smax.u32 s12, $0x1;
	s10 =	sadd.s32 $0x13C00, s10  }
0x23: {  	[dreg:$0x1a] =	wrdreg s29;
	s12 =	simm.s32 $0x80;
	s11 =	sadd.s32 s4, s5  }
0x24: {  	v0 =	vlaneseq.u32;
	s4 =	sadd.s32 $0xFC00, s5;
	s5 =	sadd.s32 $0x2C00, s11;
	s11 =	simm.s32 $0x2  }
.LBB2_1:
0x25: {  	[tilespmem:s2], [sflag:$0x2] =	stream.linear.gather [hbm4b:s5+s2], $0x3400, $0x38;
	[tilespmem:$0x14600] =	vst v63  }
0x26: {  	_ =	swait.ge [sflag:s11], $0x3400  }
0x27: {  	s24 =	simm.s32 $0x0;
	[sflag:s11] =	ssyncset.done $0x0  }
0x28: {  	s26 =	simm.s32 $0x40;
	s25 =	smov.u32 s9;
	[sflag:s11] =	ssyncadd.s32 $0xFFFFCC00  }
.LBB2_2:
0x29: {  	p0 =	sne.s32 s26, $0xCFC0;
	v1 =	vor.u32 s25, v0;
	v2 =	vld [tilespmem:s24+$0x0]  }
0x2a: {  	v3 =	vmulhi.u32 $0x4EC4EC4F, v1;
	_ =	sdelay $0x1  }
0x2b: {  	v3 =	vshrl.u32 v3, $0x3  }
0x2c: {  	v3 =	vmul.u32 $0x1A, v3  }
.Ltmp0:
0x2d: {  	vm0 =	vgt.s32 v2, $0x0;
	(pc) =	sbr.rel @p0 .LBB2_2-.Ltmp0, $4  }
0x2e: {  	v1 =	vsub.s32 v1, v3;
	v2 =	vnsel vm0, $0x0, v2  }
0x2f: {  	v2 =	vmin.u32 v2, $0x7FFF;
	v1 =	vshll.u32 v1, $0xF  }
0x30: {  	v1 =	vor.u32 v1, v2  }
0x31: {  	s25 =	sadd.s32 $0x10, s25;
	[tilespmem:s24+$0x0] =	vst v1;
	s24 =	sshra.s32 s26, $0x2;
	s26 =	sadd.s32 $0x40, s26  }
0x32: {  	v1 =	vor.u32 s25, v0;
	v2 =	vld [tilespmem:s24+$0x0]  }
0x33: {  	v3 =	vmulhi.u32 $0x4EC4EC4F, v1;
	_ =	sdelay $0x1  }
0x34: {  	v3 =	vshrl.u32 v3, $0x3  }
0x35: {  	v3 =	vmul.u32 $0x1A, v3  }
0x36: {  	vm0 =	vgt.s32 v2, $0x0  }
0x37: {  	v1 =	vsub.s32 v1, v3;
	v2 =	vnsel vm0, $0x0, v2  }
0x38: {  	v2 =	vmin.u32 v2, $0x7FFF;
	v1 =	vshll.u32 v1, $0xF  }
0x39: {  	v1 =	vor.u32 v1, v2  }
0x3a: {  	s31 =	simm.s32 $0x0;
	[tilespmem:s24+$0x0] =	vst v1  }
0x3b: {  	[tilespmem:s13], [sflag:$0x1] =	stream.indirect.gather [hbm4b:s3+s12], $0x10, s31, s12, $0xb8;
	[tilespmem:$0x14600] =	vst v63  }
0x3c: {  	s0 =	rddreg [dreg:$0x4];
	s1 =	simm.s32 $0x80  }
0x3d: {  	[tilespmem:s0], [sflag:$0x1] =	stream.indirect.gather [hbm4b:s3+s12], $0x10, s1, s12, $0xb8;
	[tilespmem:$0x14600] =	vst v63  }
0x3e: {  	s26 =	rddreg [dreg:$0x5];
	s31 =	simm.s32 $0x100  }
0x3f: {  	[tilespmem:s26], [sflag:$0x1] =	stream.indirect.gather [hbm4b:s3+s12], $0x10, s31, s12, $0xb8;
	[tilespmem:$0x14600] =	vst v63  }
0x40: {  	s28 =	rddreg [dreg:$0x6];
	s0 =	simm.s32 $0x180  }
0x41: {  	[tilespmem:s28], [sflag:$0x1] =	stream.indirect.gather [hbm4b:s3+s12], $0x10, s0, s12, $0xb8;
	[tilespmem:$0x14600] =	vst v63  }
0x42: {  	s1 =	rddreg [dreg:$0x7];
	s31 =	simm.s32 $0x200  }
0x43: {  	[tilespmem:s1], [sflag:$0x1] =	stream.indirect.gather [hbm4b:s3+s12], $0x10, s31, s12, $0xb8;
	[tilespmem:$0x14600] =	vst v63  }
0x44: {  	s28 =	rddreg [dreg:$0x8];
	s0 =	simm.s32 $0x280  }
0x45: {  	[tilespmem:s28], [sflag:$0x1] =	stream.indirect.gather [hbm4b:s3+s12], $0x10, s0, s12, $0xb8;
	[tilespmem:$0x14600] =	vst v63  }
0x46: {  	s1 =	rddreg [dreg:$0x9];
	s28 =	simm.s32 $0x300  }
0x47: {  	[tilespmem:s1], [sflag:$0x1] =	stream.indirect.gather [hbm4b:s3+s12], $0x10, s28, s12, $0xb8;
	[tilespmem:$0x14600] =	vst v63  }
0x48: {  	s31 =	rddreg [dreg:$0xa];
	s0 =	simm.s32 $0x380  }
0x49: {  	[tilespmem:s31], [sflag:$0x1] =	stream.indirect.gather [hbm4b:s3+s12], $0x10, s0, s12, $0xb8;
	[tilespmem:$0x14600] =	vst v63  }
0x4a: {  	s1 =	rddreg [dreg:$0xb];
	s28 =	simm.s32 $0x400  }
0x4b: {  	[tilespmem:s1], [sflag:$0x1] =	stream.indirect.gather [hbm4b:s3+s12], $0x10, s28, s12, $0xb8;
	[tilespmem:$0x14600] =	vst v63  }
0x4c: {  	s31 =	rddreg [dreg:$0xc];
	s1 =	simm.s32 $0x480  }
0x4d: {  	[tilespmem:s31], [sflag:$0x1] =	stream.indirect.gather [hbm4b:s3+s12], $0x10, s1, s12, $0xb8;
	[tilespmem:$0x14600] =	vst v63  }
0x4e: {  	s0 =	rddreg [dreg:$0xd];
	s28 =	simm.s32 $0x500  }
0x4f: {  	[tilespmem:s0], [sflag:$0x1] =	stream.indirect.gather [hbm4b:s3+s12], $0x10, s28, s12, $0xb8;
	[tilespmem:$0x14600] =	vst v63  }
0x50: {  	s31 =	rddreg [dreg:$0xe];
	s1 =	simm.s32 $0x580  }
0x51: {  	[tilespmem:s31], [sflag:$0x1] =	stream.indirect.gather [hbm4b:s3+s12], $0x10, s1, s12, $0xb8;
	[tilespmem:$0x14600] =	vst v63  }
0x52: {  	s0 =	rddreg [dreg:$0xf];
	s28 =	simm.s32 $0x600  }
0x53: {  	[tilespmem:s0], [sflag:$0x1] =	stream.indirect.gather [hbm4b:s3+s12], $0x10, s28, s12, $0xb8;
	[tilespmem:$0x14600] =	vst v63  }
0x54: {  	s31 =	rddreg [dreg:$0x10];
	s0 =	simm.s32 $0x680  }
0x55: {  	[tilespmem:s31], [sflag:$0x1] =	stream.indirect.gather [hbm4b:s3+s12], $0x10, s0, s12, $0xb8;
	[tilespmem:$0x14600] =	vst v63  }
0x56: {  	s1 =	rddreg [dreg:$0x11];
	s31 =	simm.s32 $0x700  }
0x57: {  	[tilespmem:s1], [sflag:$0x1] =	stream.indirect.gather [hbm4b:s3+s12], $0x10, s31, s12, $0xb8;
	[tilespmem:$0x14600] =	vst v63  }
0x58: {  	s28 =	rddreg [dreg:$0x12];
	s0 =	simm.s32 $0x780  }
0x59: {  	[tilespmem:s28], [sflag:$0x1] =	stream.indirect.gather [hbm4b:s3+s12], $0x10, s0, s12, $0xb8;
	[tilespmem:$0x14600] =	vst v63  }
0x5a: {  	s1 =	rddreg [dreg:$0x13];
	s28 =	simm.s32 $0x800  }
0x5b: {  	[tilespmem:s1], [sflag:$0x1] =	stream.indirect.gather [hbm4b:s3+s12], $0x10, s28, s12, $0xb8;
	[tilespmem:$0x14600] =	vst v63  }
0x5c: {  	s31 =	rddreg [dreg:$0x14];
	s0 =	simm.s32 $0x880  }
0x5d: {  	[tilespmem:s31], [sflag:$0x1] =	stream.indirect.gather [hbm4b:s3+s12], $0x10, s0, s12, $0xb8;
	[tilespmem:$0x14600] =	vst v63  }
0x5e: {  	s1 =	rddreg [dreg:$0x15];
	s28 =	simm.s32 $0x900  }
0x5f: {  	[tilespmem:s1], [sflag:$0x1] =	stream.indirect.gather [hbm4b:s3+s12], $0x10, s28, s12, $0xb8;
	[tilespmem:$0x14600] =	vst v63  }
0x60: {  	s31 =	rddreg [dreg:$0x16];
	s0 =	simm.s32 $0x980  }
0x61: {  	[tilespmem:s31], [sflag:$0x1] =	stream.indirect.gather [hbm4b:s3+s12], $0x10, s0, s12, $0xb8;
	[tilespmem:$0x14600] =	vst v63  }
0x62: {  	s1 =	rddreg [dreg:$0x17];
	s31 =	simm.s32 $0xA00  }
0x63: {  	[tilespmem:s1], [sflag:$0x1] =	stream.indirect.gather [hbm4b:s3+s12], $0x10, s31, s12, $0xb8;
	[tilespmem:$0x14600] =	vst v63  }
0x64: {  	s28 =	rddreg [dreg:$0x18];
	s0 =	simm.s32 $0xA80  }
0x65: {  	[tilespmem:s28], [sflag:$0x1] =	stream.indirect.gather [hbm4b:s3+s12], $0x10, s0, s12, $0xb8;
	[tilespmem:$0x14600] =	vst v63  }
0x66: {  	s1 =	rddreg [dreg:$0x19];
	s31 =	simm.s32 $0xB00  }
0x67: {  	[tilespmem:s1], [sflag:$0x1] =	stream.indirect.gather [hbm4b:s3+s12], $0x10, s31, s12, $0xb8;
	[tilespmem:$0x14600] =	vst v63  }
0x68: {  	s28 =	rddreg [dreg:$0x1a];
	s0 =	simm.s32 $0xB80  }
0x69: {  	[tilespmem:s28], [sflag:$0x1] =	stream.indirect.gather [hbm4b:s3+s12], $0x10, s0, s12, $0xb8;
	[tilespmem:$0x14600] =	vst v63  }
0x6a: {  	s25 =	simm.s32 $0xC00;
	s1 =	rddreg [dreg:$0x1b]  }
0x6b: {  	[tilespmem:s1], [sflag:$0x1] =	stream.indirect.gather [hbm4b:s3+s12], $0x10, s25, s12, $0xb8;
	[tilespmem:$0x14600] =	vst v63  }
0x6c: {  	s31 =	simm.s32 $0xC80;
	s28 =	rddreg [dreg:$0x1c]  }
0x6d: {  	[tilespmem:s28], [sflag:$0x1] =	stream.indirect.gather [hbm4b:s3+s12], $0x10, s31, s12, $0xb8;
	[tilespmem:$0x14600] =	vst v63  }
0x6e: {  	_ =	swait.ge [sflag:s14], $0x800  }
0x6f: {  	[sflag:s14] =	ssyncset.done $0x0  }
0x70: {  	[sflag:s14] =	ssyncadd.s32 $0xFFFFF800  }
0x71: {  	_ =	swait.ge [sflag:s14], $0x800  }
0x72: {  	[sflag:s14] =	ssyncset.done $0x0  }
0x73: {  	[sflag:s14] =	ssyncadd.s32 $0xFFFFF800  }
0x74: {  	_ =	swait.ge [sflag:s14], $0x800  }
0x75: {  	[sflag:s14] =	ssyncset.done $0x0  }
0x76: {  	[sflag:s14] =	ssyncadd.s32 $0xFFFFF800  }
0x77: {  	_ =	swait.ge [sflag:s14], $0x800  }
0x78: {  	[sflag:s14] =	ssyncset.done $0x0  }
0x79: {  	[sflag:s14] =	ssyncadd.s32 $0xFFFFF800  }
0x7a: {  	_ =	swait.ge [sflag:s14], $0x800  }
0x7b: {  	[sflag:s14] =	ssyncset.done $0x0  }
0x7c: {  	[sflag:s14] =	ssyncadd.s32 $0xFFFFF800  }
0x7d: {  	_ =	swait.ge [sflag:s14], $0x800  }
0x7e: {  	[sflag:s14] =	ssyncset.done $0x0  }
0x7f: {  	[sflag:s14] =	ssyncadd.s32 $0xFFFFF800  }
0x80: {  	_ =	swait.ge [sflag:s14], $0x800  }
0x81: {  	[sflag:s14] =	ssyncset.done $0x0  }
0x82: {  	[sflag:s14] =	ssyncadd.s32 $0xFFFFF800  }
0x83: {  	_ =	swait.ge [sflag:s14], $0x800  }
0x84: {  	[sflag:s14] =	ssyncset.done $0x0  }
0x85: {  	[sflag:s14] =	ssyncadd.s32 $0xFFFFF800  }
0x86: {  	_ =	swait.ge [sflag:s14], $0x800  }
0x87: {  	[sflag:s14] =	ssyncset.done $0x0  }
0x88: {  	[sflag:s14] =	ssyncadd.s32 $0xFFFFF800  }
0x89: {  	_ =	swait.ge [sflag:s14], $0x800  }
0x8a: {  	[sflag:s14] =	ssyncset.done $0x0  }
0x8b: {  	[sflag:s14] =	ssyncadd.s32 $0xFFFFF800  }
0x8c: {  	_ =	swait.ge [sflag:s14], $0x800  }
0x8d: {  	[sflag:s14] =	ssyncset.done $0x0  }
0x8e: {  	[sflag:s14] =	ssyncadd.s32 $0xFFFFF800  }
0x8f: {  	_ =	swait.ge [sflag:s14], $0x800  }
0x90: {  	[sflag:s14] =	ssyncset.done $0x0  }
0x91: {  	[sflag:s14] =	ssyncadd.s32 $0xFFFFF800  }
0x92: {  	_ =	swait.ge [sflag:s14], $0x800  }
0x93: {  	[sflag:s14] =	ssyncset.done $0x0  }
0x94: {  	[sflag:s14] =	ssyncadd.s32 $0xFFFFF800  }
0x95: {  	_ =	swait.ge [sflag:s14], $0x800  }
0x96: {  	[sflag:s14] =	ssyncset.done $0x0  }
0x97: {  	[sflag:s14] =	ssyncadd.s32 $0xFFFFF800  }
0x98: {  	_ =	swait.ge [sflag:s14], $0x800  }
0x99: {  	[sflag:s14] =	ssyncset.done $0x0  }
0x9a: {  	[sflag:s14] =	ssyncadd.s32 $0xFFFFF800  }
0x9b: {  	_ =	swait.ge [sflag:s14], $0x800  }
0x9c: {  	[sflag:s14] =	ssyncset.done $0x0  }
0x9d: {  	[sflag:s14] =	ssyncadd.s32 $0xFFFFF800  }
0x9e: {  	_ =	swait.ge [sflag:s14], $0x800  }
0x9f: {  	[sflag:s14] =	ssyncset.done $0x0  }
0xa0: {  	[sflag:s14] =	ssyncadd.s32 $0xFFFFF800  }
0xa1: {  	_ =	swait.ge [sflag:s14], $0x800  }
0xa2: {  	[sflag:s14] =	ssyncset.done $0x0  }
0xa3: {  	[sflag:s14] =	ssyncadd.s32 $0xFFFFF800  }
0xa4: {  	_ =	swait.ge [sflag:s14], $0x800  }
0xa5: {  	[sflag:s14] =	ssyncset.done $0x0  }
0xa6: {  	[sflag:s14] =	ssyncadd.s32 $0xFFFFF800  }
0xa7: {  	_ =	swait.ge [sflag:s14], $0x800  }
0xa8: {  	[sflag:s14] =	ssyncset.done $0x0  }
0xa9: {  	[sflag:s14] =	ssyncadd.s32 $0xFFFFF800  }
0xaa: {  	_ =	swait.ge [sflag:s14], $0x800  }
0xab: {  	[sflag:s14] =	ssyncset.done $0x0  }
0xac: {  	[sflag:s14] =	ssyncadd.s32 $0xFFFFF800  }
0xad: {  	_ =	swait.ge [sflag:s14], $0x800  }
0xae: {  	[sflag:s14] =	ssyncset.done $0x0  }
0xaf: {  	[sflag:s14] =	ssyncadd.s32 $0xFFFFF800  }
0xb0: {  	_ =	swait.ge [sflag:s14], $0x800  }
0xb1: {  	[sflag:s14] =	ssyncset.done $0x0  }
0xb2: {  	[sflag:s14] =	ssyncadd.s32 $0xFFFFF800  }
0xb3: {  	_ =	swait.ge [sflag:s14], $0x800  }
0xb4: {  	[sflag:s14] =	ssyncset.done $0x0  }
0xb5: {  	[sflag:s14] =	ssyncadd.s32 $0xFFFFF800  }
0xb6: {  	_ =	swait.ge [sflag:s14], $0x800  }
0xb7: {  	[sflag:s14] =	ssyncset.done $0x0  }
0xb8: {  	[sflag:s14] =	ssyncadd.s32 $0xFFFFF800  }
0xb9: {  	_ =	swait.ge [sflag:s14], $0x800  }
0xba: {  	[sflag:s14] =	ssyncset.done $0x0  }
0xbb: {  	s30 =	simm.s32 $0x6800;
	s29 =	simm.s32 $0xD80;
	[sflag:s14] =	ssyncadd.s32 $0xFFFFF800  }
0xbc: {  	[hbm4b:s10+s2] =	stream.linear.scatter [tilespmem:s13], [sflag:$0x2], $0xD000, $0x38;
	[tilespmem:$0x14600] =	vst v63  }
0xbd: {  	s24 =	sadd.s32 $0x1A00, s10;
	s25 =	simm.s32 $0xD00;
	_ =	swait.ge [sflag:s11], $0xD000  }
.LBB2_4:
0xbe: {  	[sflag:s11] =	ssyncset.done $0x0  }
0xbf: {  	s28 =	sshra.s32 s30, $0x2;
	[sflag:s11] =	ssyncadd.s32 $0xFFFF3000  }
0xc0: {  	[tilespmem:s13], [sflag:$0x1] =	stream.indirect.gather [hbm4b:s3+s12], $0x10, s25, s12, $0xb8;
	[tilespmem:$0x14600] =	vst v63  }
0xc1: {  	s31 =	rddreg [dreg:$0x4];
	s26 =	smov.u32 s30;
	p0 =	sne.s32 s30, $0x9C00  }
0xc2: {  	[tilespmem:s31], [sflag:$0x1] =	stream.indirect.gather [hbm4b:s3+s12], $0x10, s29, s12, $0xb8;
	[tilespmem:$0x14600] =	vst v63  }
0xc3: {  	s1 =	rddreg [dreg:$0x5];
	s26 =	sadd.s32 $0x3400, s30;
	s30 =	sadd.s32 $0x100, s25  }
0xc4: {  	[tilespmem:s1], [sflag:$0x1] =	stream.indirect.gather [hbm4b:s3+s12], $0x10, s30, s12, $0xb8;
	[tilespmem:$0x14600] =	vst v63  }
0xc5: {  	s0 =	rddreg [dreg:$0x6];
	s29 =	sadd.s32 $0x180, s25  }
0xc6: {  	[tilespmem:s0], [sflag:$0x1] =	stream.indirect.gather [hbm4b:s3+s12], $0x10, s29, s12, $0xb8;
	[tilespmem:$0x14600] =	vst v63  }
0xc7: {  	s1 =	sadd.s32 $0x200, s25;
	s30 =	rddreg [dreg:$0x7]  }
0xc8: {  	[tilespmem:s30], [sflag:$0x1] =	stream.indirect.gather [hbm4b:s3+s12], $0x10, s1, s12, $0xb8;
	[tilespmem:$0x14600] =	vst v63  }
0xc9: {  	s31 =	rddreg [dreg:$0x8];
	s0 =	sadd.s32 $0x280, s25  }
0xca: {  	[tilespmem:s31], [sflag:$0x1] =	stream.indirect.gather [hbm4b:s3+s12], $0x10, s0, s12, $0xb8;
	[tilespmem:$0x14600] =	vst v63  }
0xcb: {  	s29 =	rddreg [dreg:$0x9];
	s1 =	sadd.s32 $0x300, s25  }
0xcc: {  	[tilespmem:s29], [sflag:$0x1] =	stream.indirect.gather [hbm4b:s3+s12], $0x10, s1, s12, $0xb8;
	[tilespmem:$0x14600] =	vst v63  }
0xcd: {  	s0 =	sadd.s32 $0x380, s25;
	s31 =	rddreg [dreg:$0xa]  }
0xce: {  	[tilespmem:s31], [sflag:$0x1] =	stream.indirect.gather [hbm4b:s3+s12], $0x10, s0, s12, $0xb8;
	[tilespmem:$0x14600] =	vst v63  }
0xcf: {  	s1 =	sadd.s32 $0x400, s25;
	s29 =	rddreg [dreg:$0xb]  }
0xd0: {  	[tilespmem:s29], [sflag:$0x1] =	stream.indirect.gather [hbm4b:s3+s12], $0x10, s1, s12, $0xb8;
	[tilespmem:$0x14600] =	vst v63  }
0xd1: {  	s0 =	sadd.s32 $0x480, s25;
	s31 =	rddreg [dreg:$0xc]  }
0xd2: {  	[tilespmem:s31], [sflag:$0x1] =	stream.indirect.gather [hbm4b:s3+s12], $0x10, s0, s12, $0xb8;
	[tilespmem:$0x14600] =	vst v63  }
0xd3: {  	s30 =	rddreg [dreg:$0xd];
	s1 =	sadd.s32 $0x500, s25  }
0xd4: {  	[tilespmem:s30], [sflag:$0x1] =	stream.indirect.gather [hbm4b:s3+s12], $0x10, s1, s12, $0xb8;
	[tilespmem:$0x14600] =	vst v63  }
0xd5: {  	s0 =	sadd.s32 $0x580, s25;
	s31 =	rddreg [dreg:$0xe]  }
0xd6: {  	[tilespmem:s31], [sflag:$0x1] =	stream.indirect.gather [hbm4b:s3+s12], $0x10, s0, s12, $0xb8;
	[tilespmem:$0x14600] =	vst v63  }
0xd7: {  	s29 =	rddreg [dreg:$0xf];
	s1 =	sadd.s32 $0x600, s25  }
0xd8: {  	[tilespmem:s29], [sflag:$0x1] =	stream.indirect.gather [hbm4b:s3+s12], $0x10, s1, s12, $0xb8;
	[tilespmem:$0x14600] =	vst v63  }
0xd9: {  	s30 =	rddreg [dreg:$0x10];
	s0 =	sadd.s32 $0x680, s25  }
0xda: {  	[tilespmem:s30], [sflag:$0x1] =	stream.indirect.gather [hbm4b:s3+s12], $0x10, s0, s12, $0xb8;
	[tilespmem:$0x14600] =	vst v63  }
0xdb: {  	s1 =	sadd.s32 $0x700, s25;
	s29 =	rddreg [dreg:$0x11]  }
0xdc: {  	[tilespmem:s29], [sflag:$0x1] =	stream.indirect.gather [hbm4b:s3+s12], $0x10, s1, s12, $0xb8;
	[tilespmem:$0x14600] =	vst v63  }
0xdd: {  	s31 =	rddreg [dreg:$0x12];
	s0 =	sadd.s32 $0x780, s25  }
0xde: {  	[tilespmem:s31], [sflag:$0x1] =	stream.indirect.gather [hbm4b:s3+s12], $0x10, s0, s12, $0xb8;
	[tilespmem:$0x14600] =	vst v63  }
0xdf: {  	s1 =	sadd.s32 $0x800, s25;
	s29 =	rddreg [dreg:$0x13]  }
0xe0: {  	[tilespmem:s29], [sflag:$0x1] =	stream.indirect.gather [hbm4b:s3+s12], $0x10, s1, s12, $0xb8;
	[tilespmem:$0x14600] =	vst v63  }
0xe1: {  	s0 =	sadd.s32 $0x880, s25;
	s31 =	rddreg [dreg:$0x14]  }
0xe2: {  	[tilespmem:s31], [sflag:$0x1] =	stream.indirect.gather [hbm4b:s3+s12], $0x10, s0, s12, $0xb8;
	[tilespmem:$0x14600] =	vst v63  }
0xe3: {  	s1 =	sadd.s32 $0x900, s25;
	s29 =	rddreg [dreg:$0x15]  }
0xe4: {  	[tilespmem:s29], [sflag:$0x1] =	stream.indirect.gather [hbm4b:s3+s12], $0x10, s1, s12, $0xb8;
	[tilespmem:$0x14600] =	vst v63  }
0xe5: {  	s0 =	sadd.s32 $0x980, s25;
	s31 =	rddreg [dreg:$0x16]  }
0xe6: {  	[tilespmem:s31], [sflag:$0x1] =	stream.indirect.gather [hbm4b:s3+s12], $0x10, s0, s12, $0xb8;
	[tilespmem:$0x14600] =	vst v63  }
0xe7: {  	s1 =	sadd.s32 $0xA00, s25;
	s29 =	rddreg [dreg:$0x17]  }
0xe8: {  	[tilespmem:s29], [sflag:$0x1] =	stream.indirect.gather [hbm4b:s3+s12], $0x10, s1, s12, $0xb8;
	[tilespmem:$0x14600] =	vst v63  }
0xe9: {  	s30 =	rddreg [dreg:$0x18];
	s0 =	sadd.s32 $0xA80, s25  }
0xea: {  	[tilespmem:s30], [sflag:$0x1] =	stream.indirect.gather [hbm4b:s3+s12], $0x10, s0, s12, $0xb8;
	[tilespmem:$0x14600] =	vst v63  }
0xeb: {  	s1 =	sadd.s32 $0xB00, s25;
	s29 =	rddreg [dreg:$0x19]  }
0xec: {  	[tilespmem:s29], [sflag:$0x1] =	stream.indirect.gather [hbm4b:s3+s12], $0x10, s1, s12, $0xb8;
	[tilespmem:$0x14600] =	vst v63  }
0xed: {  	s31 =	rddreg [dreg:$0x1a];
	s0 =	sadd.s32 $0xB80, s25  }
0xee: {  	[tilespmem:s31], [sflag:$0x1] =	stream.indirect.gather [hbm4b:s3+s12], $0x10, s0, s12, $0xb8;
	[tilespmem:$0x14600] =	vst v63  }
0xef: {  	s30 =	rddreg [dreg:$0x1b];
	s1 =	sadd.s32 $0xC00, s25  }
0xf0: {  	[tilespmem:s30], [sflag:$0x1] =	stream.indirect.gather [hbm4b:s3+s12], $0x10, s1, s12, $0xb8;
	[tilespmem:$0x14600] =	vst v63  }
0xf1: {  	s29 =	rddreg [dreg:$0x1c];
	s31 =	sadd.s32 $0xC80, s25  }
0xf2: {  	[tilespmem:s29], [sflag:$0x1] =	stream.indirect.gather [hbm4b:s3+s12], $0x10, s31, s12, $0xb8;
	[tilespmem:$0x14600] =	vst v63  }
0xf3: {  	_ =	swait.ge [sflag:s14], $0x800  }
0xf4: {  	[sflag:s14] =	ssyncset.done $0x0  }
0xf5: {  	[sflag:s14] =	ssyncadd.s32 $0xFFFFF800  }
0xf6: {  	_ =	swait.ge [sflag:s14], $0x800  }
0xf7: {  	[sflag:s14] =	ssyncset.done $0x0  }
0xf8: {  	[sflag:s14] =	ssyncadd.s32 $0xFFFFF800  }
0xf9: {  	_ =	swait.ge [sflag:s14], $0x800  }
0xfa: {  	[sflag:s14] =	ssyncset.done $0x0  }
0xfb: {  	[sflag:s14] =	ssyncadd.s32 $0xFFFFF800  }
0xfc: {  	_ =	swait.ge [sflag:s14], $0x800  }
0xfd: {  	[sflag:s14] =	ssyncset.done $0x0  }
0xfe: {  	[sflag:s14] =	ssyncadd.s32 $0xFFFFF800  }
0xff: {  	_ =	swait.ge [sflag:s14], $0x800  }
0x100: {  	[sflag:s14] =	ssyncset.done $0x0  }
0x101: {  	[sflag:s14] =	ssyncadd.s32 $0xFFFFF800  }
0x102: {  	_ =	swait.ge [sflag:s14], $0x800  }
0x103: {  	[sflag:s14] =	ssyncset.done $0x0  }
0x104: {  	[sflag:s14] =	ssyncadd.s32 $0xFFFFF800  }
0x105: {  	_ =	swait.ge [sflag:s14], $0x800  }
0x106: {  	[sflag:s14] =	ssyncset.done $0x0  }
0x107: {  	[sflag:s14] =	ssyncadd.s32 $0xFFFFF800  }
0x108: {  	_ =	swait.ge [sflag:s14], $0x800  }
0x109: {  	[sflag:s14] =	ssyncset.done $0x0  }
0x10a: {  	[sflag:s14] =	ssyncadd.s32 $0xFFFFF800  }
0x10b: {  	_ =	swait.ge [sflag:s14], $0x800  }
0x10c: {  	[sflag:s14] =	ssyncset.done $0x0  }
0x10d: {  	[sflag:s14] =	ssyncadd.s32 $0xFFFFF800  }
0x10e: {  	_ =	swait.ge [sflag:s14], $0x800  }
0x10f: {  	[sflag:s14] =	ssyncset.done $0x0  }
0x110: {  	[sflag:s14] =	ssyncadd.s32 $0xFFFFF800  }
0x111: {  	_ =	swait.ge [sflag:s14], $0x800  }
0x112: {  	[sflag:s14] =	ssyncset.done $0x0  }
0x113: {  	[sflag:s14] =	ssyncadd.s32 $0xFFFFF800  }
0x114: {  	_ =	swait.ge [sflag:s14], $0x800  }
0x115: {  	[sflag:s14] =	ssyncset.done $0x0  }
0x116: {  	[sflag:s14] =	ssyncadd.s32 $0xFFFFF800  }
0x117: {  	_ =	swait.ge [sflag:s14], $0x800  }
0x118: {  	[sflag:s14] =	ssyncset.done $0x0  }
0x119: {  	[sflag:s14] =	ssyncadd.s32 $0xFFFFF800  }
0x11a: {  	_ =	swait.ge [sflag:s14], $0x800  }
0x11b: {  	[sflag:s14] =	ssyncset.done $0x0  }
0x11c: {  	[sflag:s14] =	ssyncadd.s32 $0xFFFFF800  }
0x11d: {  	_ =	swait.ge [sflag:s14], $0x800  }
0x11e: {  	[sflag:s14] =	ssyncset.done $0x0  }
0x11f: {  	[sflag:s14] =	ssyncadd.s32 $0xFFFFF800  }
0x120: {  	_ =	swait.ge [sflag:s14], $0x800  }
0x121: {  	[sflag:s14] =	ssyncset.done $0x0  }
0x122: {  	[sflag:s14] =	ssyncadd.s32 $0xFFFFF800  }
0x123: {  	_ =	swait.ge [sflag:s14], $0x800  }
0x124: {  	[sflag:s14] =	ssyncset.done $0x0  }
0x125: {  	[sflag:s14] =	ssyncadd.s32 $0xFFFFF800  }
0x126: {  	_ =	swait.ge [sflag:s14], $0x800  }
0x127: {  	[sflag:s14] =	ssyncset.done $0x0  }
0x128: {  	[sflag:s14] =	ssyncadd.s32 $0xFFFFF800  }
0x129: {  	_ =	swait.ge [sflag:s14], $0x800  }
0x12a: {  	[sflag:s14] =	ssyncset.done $0x0  }
0x12b: {  	[sflag:s14] =	ssyncadd.s32 $0xFFFFF800  }
0x12c: {  	_ =	swait.ge [sflag:s14], $0x800  }
0x12d: {  	[sflag:s14] =	ssyncset.done $0x0  }
0x12e: {  	[sflag:s14] =	ssyncadd.s32 $0xFFFFF800  }
0x12f: {  	_ =	swait.ge [sflag:s14], $0x800  }
0x130: {  	[sflag:s14] =	ssyncset.done $0x0  }
0x131: {  	[sflag:s14] =	ssyncadd.s32 $0xFFFFF800  }
0x132: {  	_ =	swait.ge [sflag:s14], $0x800  }
0x133: {  	[sflag:s14] =	ssyncset.done $0x0  }
0x134: {  	[sflag:s14] =	ssyncadd.s32 $0xFFFFF800  }
0x135: {  	_ =	swait.ge [sflag:s14], $0x800  }
0x136: {  	[sflag:s14] =	ssyncset.done $0x0  }
0x137: {  	[sflag:s14] =	ssyncadd.s32 $0xFFFFF800  }
0x138: {  	_ =	swait.ge [sflag:s14], $0x800  }
0x139: {  	[sflag:s14] =	ssyncset.done $0x0  }
0x13a: {  	[sflag:s14] =	ssyncadd.s32 $0xFFFFF800  }
0x13b: {  	_ =	swait.ge [sflag:s14], $0x800  }
0x13c: {  	[sflag:s14] =	ssyncset.done $0x0  }
0x13d: {  	[sflag:s14] =	ssyncadd.s32 $0xFFFFF800  }
.Ltmp1:
0x13e: {  	_ =	swait.ge [sflag:s14], $0x800;
	(pc) =	sbr.rel @p0 .LBB2_4-.Ltmp1, $4  }
0x13f: {  	[sflag:s14] =	ssyncset.done $0x0  }
0x140: {  	s25 =	smov.u32 s28;
	s30 =	smov.u32 s26;
	[sflag:s14] =	ssyncadd.s32 $0xFFFFF800  }
0x141: {  	[hbm4b:s24+s2] =	stream.linear.scatter [tilespmem:s13], [sflag:$0x2], $0xD000, $0x38;
	[tilespmem:$0x14600] =	vst v63  }
0x142: {  	s29 =	sadd.s32 $0x80, s25;
	s24 =	sadd.s32 $0x1A00, s24;
	_ =	swait.ge [sflag:s11], $0xD000  }
0x143: {  	[sflag:s11] =	ssyncset.done $0x0  }
0x144: {  	[sflag:s11] =	ssyncadd.s32 $0xFFFF3000  }
0x145: {  	[tilespmem:s13], [sflag:$0x1] =	stream.indirect.gather [hbm4b:s3+s12], $0x10, s25, s12, $0xb8;
	[tilespmem:$0x14600] =	vst v63  }
0x146: {  	s0 =	rddreg [dreg:$0x4]  }
0x147: {  	[tilespmem:s0], [sflag:$0x1] =	stream.indirect.gather [hbm4b:s3+s12], $0x10, s29, s12, $0xb8;
	[tilespmem:$0x14600] =	vst v63  }
0x148: {  	s1 =	rddreg [dreg:$0x5];
	s26 =	sadd.s32 $0x100, s25  }
0x149: {  	[tilespmem:s1], [sflag:$0x1] =	stream.indirect.gather [hbm4b:s3+s12], $0x10, s26, s12, $0xb8;
	[tilespmem:$0x14600] =	vst v63  }
0x14a: {  	s30 =	sadd.s32 $0x180, s25;
	s29 =	rddreg [dreg:$0x6]  }
0x14b: {  	[tilespmem:s29], [sflag:$0x1] =	stream.indirect.gather [hbm4b:s3+s12], $0x10, s30, s12, $0xb8;
	[tilespmem:$0x14600] =	vst v63  }
0x14c: {  	s31 =	rddreg [dreg:$0x7];
	s29 =	sadd.s32 $0x200, s25  }
0x14d: {  	[tilespmem:s31], [sflag:$0x1] =	stream.indirect.gather [hbm4b:s3+s12], $0x10, s29, s12, $0xb8;
	[tilespmem:$0x14600] =	vst v63  }
0x14e: {  	s28 =	rddreg [dreg:$0x8];
	s30 =	sadd.s32 $0x280, s25  }
0x14f: {  	[tilespmem:s28], [sflag:$0x1] =	stream.indirect.gather [hbm4b:s3+s12], $0x10, s30, s12, $0xb8;
	[tilespmem:$0x14600] =	vst v63  }
0x150: {  	s31 =	rddreg [dreg:$0x9];
	s28 =	sadd.s32 $0x300, s25  }
0x151: {  	[tilespmem:s31], [sflag:$0x1] =	stream.indirect.gather [hbm4b:s3+s12], $0x10, s28, s12, $0xb8;
	[tilespmem:$0x14600] =	vst v63  }
0x152: {  	s29 =	rddreg [dreg:$0xa];
	s30 =	sadd.s32 $0x380, s25  }
0x153: {  	[tilespmem:s29], [sflag:$0x1] =	stream.indirect.gather [hbm4b:s3+s12], $0x10, s30, s12, $0xb8;
	[tilespmem:$0x14600] =	vst v63  }
0x154: {  	s31 =	rddreg [dreg:$0xb];
	s28 =	sadd.s32 $0x400, s25  }
0x155: {  	[tilespmem:s31], [sflag:$0x1] =	stream.indirect.gather [hbm4b:s3+s12], $0x10, s28, s12, $0xb8;
	[tilespmem:$0x14600] =	vst v63  }
0x156: {  	s29 =	rddreg [dreg:$0xc];
	s31 =	sadd.s32 $0x480, s25  }
0x157: {  	[tilespmem:s29], [sflag:$0x1] =	stream.indirect.gather [hbm4b:s3+s12], $0x10, s31, s12, $0xb8;
	[tilespmem:$0x14600] =	vst v63  }
0x158: {  	s30 =	rddreg [dreg:$0xd];
	s28 =	sadd.s32 $0x500, s25  }
0x159: {  	[tilespmem:s30], [sflag:$0x1] =	stream.indirect.gather [hbm4b:s3+s12], $0x10, s28, s12, $0xb8;
	[tilespmem:$0x14600] =	vst v63  }
0x15a: {  	s29 =	rddreg [dreg:$0xe];
	s31 =	sadd.s32 $0x580, s25  }
0x15b: {  	[tilespmem:s29], [sflag:$0x1] =	stream.indirect.gather [hbm4b:s3+s12], $0x10, s31, s12, $0xb8;
	[tilespmem:$0x14600] =	vst v63  }
0x15c: {  	s30 =	rddreg [dreg:$0xf];
	s28 =	sadd.s32 $0x600, s25  }
0x15d: {  	[tilespmem:s30], [sflag:$0x1] =	stream.indirect.gather [hbm4b:s3+s12], $0x10, s28, s12, $0xb8;
	[tilespmem:$0x14600] =	vst v63  }
0x15e: {  	s29 =	rddreg [dreg:$0x10];
	s30 =	sadd.s32 $0x680, s25  }
0x15f: {  	[tilespmem:s29], [sflag:$0x1] =	stream.indirect.gather [hbm4b:s3+s12], $0x10, s30, s12, $0xb8;
	[tilespmem:$0x14600] =	vst v63  }
0x160: {  	s31 =	rddreg [dreg:$0x11];
	s29 =	sadd.s32 $0x700, s25  }
0x161: {  	[tilespmem:s31], [sflag:$0x1] =	stream.indirect.gather [hbm4b:s3+s12], $0x10, s29, s12, $0xb8;
	[tilespmem:$0x14600] =	vst v63  }
0x162: {  	s28 =	rddreg [dreg:$0x12];
	s30 =	sadd.s32 $0x780, s25  }
0x163: {  	[tilespmem:s28], [sflag:$0x1] =	stream.indirect.gather [hbm4b:s3+s12], $0x10, s30, s12, $0xb8;
	[tilespmem:$0x14600] =	vst v63  }
0x164: {  	s31 =	rddreg [dreg:$0x13];
	s28 =	sadd.s32 $0x800, s25  }
0x165: {  	[tilespmem:s31], [sflag:$0x1] =	stream.indirect.gather [hbm4b:s3+s12], $0x10, s28, s12, $0xb8;
	[tilespmem:$0x14600] =	vst v63  }
0x166: {  	s29 =	rddreg [dreg:$0x14];
	s30 =	sadd.s32 $0x880, s25  }
0x167: {  	[tilespmem:s29], [sflag:$0x1] =	stream.indirect.gather [hbm4b:s3+s12], $0x10, s30, s12, $0xb8;
	[tilespmem:$0x14600] =	vst v63  }
0x168: {  	s31 =	rddreg [dreg:$0x15];
	s28 =	sadd.s32 $0x900, s25  }
0x169: {  	[tilespmem:s31], [sflag:$0x1] =	stream.indirect.gather [hbm4b:s3+s12], $0x10, s28, s12, $0xb8;
	[tilespmem:$0x14600] =	vst v63  }
0x16a: {  	s29 =	rddreg [dreg:$0x16];
	s30 =	sadd.s32 $0x980, s25  }
0x16b: {  	[tilespmem:s29], [sflag:$0x1] =	stream.indirect.gather [hbm4b:s3+s12], $0x10, s30, s12, $0xb8;
	[tilespmem:$0x14600] =	vst v63  }
0x16c: {  	s31 =	rddreg [dreg:$0x17];
	s29 =	sadd.s32 $0xA00, s25  }
0x16d: {  	[tilespmem:s31], [sflag:$0x1] =	stream.indirect.gather [hbm4b:s3+s12], $0x10, s29, s12, $0xb8;
	[tilespmem:$0x14600] =	vst v63  }
0x16e: {  	s28 =	rddreg [dreg:$0x18];
	s30 =	sadd.s32 $0xA80, s25  }
0x16f: {  	[tilespmem:s28], [sflag:$0x1] =	stream.indirect.gather [hbm4b:s3+s12], $0x10, s30, s12, $0xb8;
	[tilespmem:$0x14600] =	vst v63  }
0x170: {  	s31 =	rddreg [dreg:$0x19];
	s29 =	sadd.s32 $0xB00, s25  }
0x171: {  	[tilespmem:s31], [sflag:$0x1] =	stream.indirect.gather [hbm4b:s3+s12], $0x10, s29, s12, $0xb8;
	[tilespmem:$0x14600] =	vst v63  }
0x172: {  	s28 =	rddreg [dreg:$0x1a];
	s30 =	sadd.s32 $0xB80, s25  }
0x173: {  	[tilespmem:s28], [sflag:$0x1] =	stream.indirect.gather [hbm4b:s3+s12], $0x10, s30, s12, $0xb8;
	[tilespmem:$0x14600] =	vst v63  }
0x174: {  	s31 =	rddreg [dreg:$0x1b];
	s28 =	sadd.s32 $0xC00, s25  }
0x175: {  	[tilespmem:s31], [sflag:$0x1] =	stream.indirect.gather [hbm4b:s3+s12], $0x10, s28, s12, $0xb8;
	[tilespmem:$0x14600] =	vst v63  }
0x176: {  	s29 =	rddreg [dreg:$0x1c];
	s30 =	sadd.s32 $0xC80, s25  }
0x177: {  	[tilespmem:s29], [sflag:$0x1] =	stream.indirect.gather [hbm4b:s3+s12], $0x10, s30, s12, $0xb8;
	[tilespmem:$0x14600] =	vst v63  }
0x178: {  	_ =	swait.ge [sflag:s14], $0x800  }
0x179: {  	[sflag:s14] =	ssyncset.done $0x0  }
0x17a: {  	[sflag:s14] =	ssyncadd.s32 $0xFFFFF800  }
0x17b: {  	_ =	swait.ge [sflag:s14], $0x800  }
0x17c: {  	[sflag:s14] =	ssyncset.done $0x0  }
0x17d: {  	[sflag:s14] =	ssyncadd.s32 $0xFFFFF800  }
0x17e: {  	_ =	swait.ge [sflag:s14], $0x800  }
0x17f: {  	[sflag:s14] =	ssyncset.done $0x0  }
0x180: {  	[sflag:s14] =	ssyncadd.s32 $0xFFFFF800  }
0x181: {  	_ =	swait.ge [sflag:s14], $0x800  }
0x182: {  	[sflag:s14] =	ssyncset.done $0x0  }
0x183: {  	[sflag:s14] =	ssyncadd.s32 $0xFFFFF800  }
0x184: {  	_ =	swait.ge [sflag:s14], $0x800  }
0x185: {  	[sflag:s14] =	ssyncset.done $0x0  }
0x186: {  	[sflag:s14] =	ssyncadd.s32 $0xFFFFF800  }
0x187: {  	_ =	swait.ge [sflag:s14], $0x800  }
0x188: {  	[sflag:s14] =	ssyncset.done $0x0  }
0x189: {  	[sflag:s14] =	ssyncadd.s32 $0xFFFFF800  }
0x18a: {  	_ =	swait.ge [sflag:s14], $0x800  }
0x18b: {  	[sflag:s14] =	ssyncset.done $0x0  }
0x18c: {  	[sflag:s14] =	ssyncadd.s32 $0xFFFFF800  }
0x18d: {  	_ =	swait.ge [sflag:s14], $0x800  }
0x18e: {  	[sflag:s14] =	ssyncset.done $0x0  }
0x18f: {  	[sflag:s14] =	ssyncadd.s32 $0xFFFFF800  }
0x190: {  	_ =	swait.ge [sflag:s14], $0x800  }
0x191: {  	[sflag:s14] =	ssyncset.done $0x0  }
0x192: {  	[sflag:s14] =	ssyncadd.s32 $0xFFFFF800  }
0x193: {  	_ =	swait.ge [sflag:s14], $0x800  }
0x194: {  	[sflag:s14] =	ssyncset.done $0x0  }
0x195: {  	[sflag:s14] =	ssyncadd.s32 $0xFFFFF800  }
0x196: {  	_ =	swait.ge [sflag:s14], $0x800  }
0x197: {  	[sflag:s14] =	ssyncset.done $0x0  }
0x198: {  	[sflag:s14] =	ssyncadd.s32 $0xFFFFF800  }
0x199: {  	_ =	swait.ge [sflag:s14], $0x800  }
0x19a: {  	[sflag:s14] =	ssyncset.done $0x0  }
0x19b: {  	[sflag:s14] =	ssyncadd.s32 $0xFFFFF800  }
0x19c: {  	_ =	swait.ge [sflag:s14], $0x800  }
0x19d: {  	[sflag:s14] =	ssyncset.done $0x0  }
0x19e: {  	[sflag:s14] =	ssyncadd.s32 $0xFFFFF800  }
0x19f: {  	_ =	swait.ge [sflag:s14], $0x800  }
0x1a0: {  	[sflag:s14] =	ssyncset.done $0x0  }
0x1a1: {  	[sflag:s14] =	ssyncadd.s32 $0xFFFFF800  }
0x1a2: {  	_ =	swait.ge [sflag:s14], $0x800  }
0x1a3: {  	[sflag:s14] =	ssyncset.done $0x0  }
0x1a4: {  	[sflag:s14] =	ssyncadd.s32 $0xFFFFF800  }
0x1a5: {  	_ =	swait.ge [sflag:s14], $0x800  }
0x1a6: {  	[sflag:s14] =	ssyncset.done $0x0  }
0x1a7: {  	[sflag:s14] =	ssyncadd.s32 $0xFFFFF800  }
0x1a8: {  	_ =	swait.ge [sflag:s14], $0x800  }
0x1a9: {  	[sflag:s14] =	ssyncset.done $0x0  }
0x1aa: {  	[sflag:s14] =	ssyncadd.s32 $0xFFFFF800  }
0x1ab: {  	_ =	swait.ge [sflag:s14], $0x800  }
0x1ac: {  	[sflag:s14] =	ssyncset.done $0x0  }
0x1ad: {  	[sflag:s14] =	ssyncadd.s32 $0xFFFFF800  }
0x1ae: {  	_ =	swait.ge [sflag:s14], $0x800  }
0x1af: {  	[sflag:s14] =	ssyncset.done $0x0  }
0x1b0: {  	[sflag:s14] =	ssyncadd.s32 $0xFFFFF800  }
0x1b1: {  	_ =	swait.ge [sflag:s14], $0x800  }
0x1b2: {  	[sflag:s14] =	ssyncset.done $0x0  }
0x1b3: {  	[sflag:s14] =	ssyncadd.s32 $0xFFFFF800  }
0x1b4: {  	_ =	swait.ge [sflag:s14], $0x800  }
0x1b5: {  	[sflag:s14] =	ssyncset.done $0x0  }
0x1b6: {  	[sflag:s14] =	ssyncadd.s32 $0xFFFFF800  }
0x1b7: {  	_ =	swait.ge [sflag:s14], $0x800  }
0x1b8: {  	[sflag:s14] =	ssyncset.done $0x0  }
0x1b9: {  	[sflag:s14] =	ssyncadd.s32 $0xFFFFF800  }
0x1ba: {  	_ =	swait.ge [sflag:s14], $0x800  }
0x1bb: {  	[sflag:s14] =	ssyncset.done $0x0  }
0x1bc: {  	[sflag:s14] =	ssyncadd.s32 $0xFFFFF800  }
0x1bd: {  	_ =	swait.ge [sflag:s14], $0x800  }
0x1be: {  	[sflag:s14] =	ssyncset.done $0x0  }
0x1bf: {  	[sflag:s14] =	ssyncadd.s32 $0xFFFFF800  }
0x1c0: {  	_ =	swait.ge [sflag:s14], $0x800  }
0x1c1: {  	[sflag:s14] =	ssyncset.done $0x0  }
0x1c2: {  	[sflag:s14] =	ssyncadd.s32 $0xFFFFF800  }
0x1c3: {  	_ =	swait.ge [sflag:s14], $0x800  }
0x1c4: {  	[sflag:s14] =	ssyncset.done $0x0  }
0x1c5: {  	[sflag:s14] =	ssyncadd.s32 $0xFFFFF800  }
0x1c6: {  	[hbm4b:s24+s2] =	stream.linear.scatter [tilespmem:s13], [sflag:$0x2], $0xD000, $0x38;
	[tilespmem:$0x14600] =	vst v63  }
0x1c7: {  	_ =	swait.ge [sflag:s11], $0xD000  }
0x1c8: {  	[sflag:s11] =	ssyncset.done $0x0  }
0x1c9: {  	s31 =	simm.s32 $0x0;
	[sflag:s11] =	ssyncadd.s32 $0xFFFF3000  }
0x1ca: {  	[tilespmem:s15], [sflag:$0x2] =	stream.linear.gather [hbm4b:s6+s31], $0x200, $0x38;
	[tilespmem:$0x14600] =	vst v63  }
0x1cb: {  	_ =	swait.ge [sflag:s11], $0x200  }
0x1cc: {  	[sflag:s11] =	ssyncset.done $0x0  }
0x1cd: {  	s25 =	simm.s32 $0x40;
	s24 =	simm.s32 $0x0;
	[sflag:s11] =	ssyncadd.s32 $0xFFFFFE00  }
.LBB2_6:
0x1ce: {  	p0 =	sne.s32 s25, $0x7C0;
	v1 =	vld [tilespmem:s24+$0x10400];
	_ =	sdelay $0x3  }
.Ltmp2:
0x1cf: {  	(pc) =	sbr.rel @p0 .LBB2_6-.Ltmp2, $4  }
0x1d0: {  	vm0 =	vgt.s32 v1, $0x0  }
0x1d1: {  	v1 =	vnsel vm0, $0x0, v1  }
0x1d2: {  	v1 =	vmin.u32 v1, $0xFFF  }
0x1d3: {  	[tilespmem:s24+$0x10400] =	vst v1;
	s24 =	sshra.s32 s25, $0x2;
	s25 =	sadd.s32 $0x40, s25  }
0x1d4: {  	v1 =	vld [tilespmem:s24+$0x10400];
	_ =	sdelay $0x4  }
0x1d5: {  	vm0 =	vgt.s32 v1, $0x0  }
0x1d6: {  	v1 =	vnsel vm0, $0x0, v1  }
0x1d7: {  	v1 =	vmin.u32 v1, $0xFFF  }
0x1d8: {  	[tilespmem:s24+$0x10400] =	vst v1  }
0x1d9: {  	[tilespmem:s16], [sflag:$0x1] =	stream.indirect.gather [hbm4b:s4+s12], $0x20, s15, s12, $0xb8;
	[tilespmem:$0x14600] =	vst v63  }
0x1da: {  	_ = 	snop  }
0x1db: {  	[tilespmem:s18], [sflag:$0x1] =	stream.indirect.gather [hbm4b:s4+s12], $0x20, s17, s12, $0xb8;
	[tilespmem:$0x14600] =	vst v63  }
0x1dc: {  	_ = 	snop  }
0x1dd: {  	[tilespmem:s20], [sflag:$0x1] =	stream.indirect.gather [hbm4b:s4+s12], $0x20, s19, s12, $0xb8;
	[tilespmem:$0x14600] =	vst v63  }
0x1de: {  	_ = 	snop  }
0x1df: {  	[tilespmem:s22], [sflag:$0x1] =	stream.indirect.gather [hbm4b:s4+s12], $0x20, s21, s12, $0xb8;
	[tilespmem:$0x14600] =	vst v63  }
0x1e0: {  	_ =	swait.ge [sflag:s14], $0x1000  }
0x1e1: {  	[sflag:s14] =	ssyncset.done $0x0  }
0x1e2: {  	[sflag:s14] =	ssyncadd.s32 $0xFFFFF000  }
0x1e3: {  	_ =	swait.ge [sflag:s14], $0x1000  }
0x1e4: {  	[sflag:s14] =	ssyncset.done $0x0  }
0x1e5: {  	[sflag:s14] =	ssyncadd.s32 $0xFFFFF000  }
0x1e6: {  	_ =	swait.ge [sflag:s14], $0x1000  }
0x1e7: {  	[sflag:s14] =	ssyncset.done $0x0  }
0x1e8: {  	[sflag:s14] =	ssyncadd.s32 $0xFFFFF000  }
0x1e9: {  	s23 =	sadd.s32 $0x1, s23;
	_ =	swait.ge [sflag:s14], $0x1000  }
0x1ea: {  	p0 =	sne.s32 s23, s8;
	[sflag:s14] =	ssyncset.done $0x0  }
.Ltmp3:
0x1eb: {  	[sflag:s14] =	ssyncadd.s32 $0xFFFFF000;
	(pc) =	sbr.rel @p0 .LBB2_1-.Ltmp3, $4  }
0x1ec: {  	[hbm4b:s7+s2] =	stream.linear.scatter [tilespmem:s16], [sflag:$0x2], $0x4000, $0x38;
	[tilespmem:$0x14600] =	vst v63  }
0x1ed: {  	_ =	swait.ge [sflag:s11], $0x4000  }
0x1ee: {  	[sflag:s11] =	ssyncset.done $0x0  }
0x1ef: {  	[sflag:s11] =	ssyncadd.s32 $0xFFFFC000  }
0x1f0: {  	_ =	sfence.sel $0x180000  }
0x1f1: {  	[bflag:$0x0] =	sbarrier.arrive $0xFFFF  }
0x1f2: {  	_ =	strace $0x90000047  }
0x1f3: {  	s0 =	stileid.u32;
	[bflag:$0x2] =	sbarrier.arrive $0xFFFF  }
0x1f4: {  	p0 =	sne.s32 s0, $0x0;
	s0 =	rddreg [dreg:$0x3]  }
0x1f5: {  	s0 =	sadd.s32 @!p0 $0x100000, s0  }
0x1f6: {  	[sflag:s0] =	ssyncadd.tile.s32 @!p0 $0x1;
	_ =	shalt  }
.Lfunc_end2:
_tile_overlayer_lowered:
.L_overlay_start_2:
0x1f7: {  	(tag) =	ssettag $0x2  }
0x1f8: {  	s0 =	rddreg [dreg:$0x0];
	s2 =	stileid.u32  }
0x1f9: {  	s1 =	rddreg [dreg:$0x1];
	p0 =	sne.s32 s2, $0x0  }
0x1fa: {  	s3 =	rddreg [dreg:$0x2];
	[bflag:$0x3] =	sbarrier.arrive $0xFFFF;
	s2 =	simm.s32 @!p0 $0x1C02  }
0x1fb: {  	[timem:s3], [sflag:s2] =	dma.local @!p0 [hbm:s0], s1  }
0x1fc: {  	s0 =	simm.s32 @!p0 $0x2  }
0x1fd: {  	_ =	swait.ge @!p0 [sflag:s0], s1  }
0x1fe: {  	s1 =	ssub.s32 @!p0 $0x0, s1;
	[sflag:s0] =	ssyncset.done @!p0 $0x0  }
0x1ff: {  	[sflag:s0] =	ssyncadd.s32 @!p0 s1  }
0x200: {  	[bflag:$0x3] =	sbarrier.arrive $0xFFFF  }
0x201: {  	_ =	shalt  }

</sc_bundles>
